<compile_context>
chip_gen: v7x
topology: tpu7x:2x2x1
jax: 0.10.2.dev20260603
libtpu: 0.0.44.dev20260713+nightly
codegen_flags: <defaults>
</compile_context>

<pallas_src>
import functools

import jax
import jax.numpy as jnp
import numpy as np
from jax import lax
from jax.experimental import pallas as pl
from jax.experimental.pallas import tpu as pltpu
from jax.experimental.pallas import tpu_sc as plsc

N = 10000
E = 320000
D = 128
ED = 16
H = 4
DH = D // H
TD = 32

F32 = jnp.float32
BF16 = jnp.bfloat16
_INV_SQRT_DH = 1.0 / np.sqrt(DH).astype(np.float32)
_TWO_PI = np.float32(2.0 * np.pi)
_INV_2PI = np.float32(1.0 / (2.0 * np.pi))
_COS_C = tuple(np.float32(c) for c in (
    0.9999999999999998, -0.49999997056967815, 0.0416665830468046,
    -0.001388820852934698, 2.47777855593126e-05, -2.715012287254388e-07,
    1.748498650710687e-09))


_RB = 1000


def _pack_bf16_pairs(lo, hi):
    ulo = lax.bitcast_convert_type(lo, jnp.uint32)
    uhi = lax.bitcast_convert_type(hi, jnp.uint32)
    w = ((ulo + 0x8000) >> 16) | ((uhi + 0x8000) & jnp.uint32(0xFFFF0000))
    return lax.bitcast_convert_type(w, F32)


def _pre_body(h_ref, wlo_ref, whi_ref, t1_ref, t2_ref):
    hb = h_ref[...]
    ylo = jnp.dot(hb, wlo_ref[...], preferred_element_type=F32)
    yhi = jnp.dot(hb, whi_ref[...], preferred_element_type=F32)
    w = _pack_bf16_pairs(ylo, yhi)
    t1_ref[...] = w[:, :D]
    t2_ref[...] = w[:, D:]


def _pre_call(h, Wlo, Whi):
    grid = (N // _RB,)
    return pl.pallas_call(
        _pre_body,
        grid=grid,
        in_specs=[
            pl.BlockSpec((_RB, D), lambda i: (i, 0)),
            pl.BlockSpec((D, D + D // 2), lambda i: (0, 0)),
            pl.BlockSpec((D, D + D // 2), lambda i: (0, 0)),
        ],
        out_specs=[
            pl.BlockSpec((_RB, D), lambda i: (i, 0)),
            pl.BlockSpec((_RB, D // 2), lambda i: (i, 0)),
        ],
        out_shape=[
            jax.ShapeDtypeStruct((N, D), F32),
            jax.ShapeDtypeStruct((N, D // 2), F32),
        ],
    )(h, Wlo, Whi)



_NW = 32
_CG = 400


def _gather_call(T1, T2, src, tgt, ec):
    epw = ec // _NW

    def body(t1_hbm, t2_hbm, src_hbm, tgt_hbm, g1_hbm, g2_hbm,
             idx1, idx2, buf1, buf2, b1b, b2b, sem1, sem2, s1b, s2b):
        wid = lax.axis_index("s") * 2 + lax.axis_index("c")
        base = wid * epw

        def chunk(i, carry):
            off = base + i * _CG
            pltpu.sync_copy(src_hbm.at[pl.ds(off, _CG)], idx1)
            pltpu.sync_copy(tgt_hbm.at[pl.ds(off, _CG)], idx2)
            c1 = pltpu.async_copy(t1_hbm.at[idx1], buf1, sem1)
            c2 = pltpu.async_copy(t2_hbm.at[idx2], buf2, sem2)
            c1.wait()
            c2.wait()
            pltpu.sync_copy(buf1, g1_hbm.at[pl.ds(off, _CG)])
            pltpu.sync_copy(buf2, g2_hbm.at[pl.ds(off, _CG)])
            return carry

        lax.fori_loop(0, epw // _CG, chunk, 0)

    mesh = plsc.VectorSubcoreMesh(core_axis_name="c", subcore_axis_name="s", num_cores=2, num_subcores=16)
    f = functools.partial(
        pl.kernel,
        out_type=[
            jax.ShapeDtypeStruct((ec, D), F32),
            jax.ShapeDtypeStruct((ec, D // 2), F32),
        ],
        mesh=mesh,
        scratch_types=[
            pltpu.VMEM((_CG,), jnp.int32),
            pltpu.VMEM((_CG,), jnp.int32),
            pltpu.VMEM((_CG, D), F32),
            pltpu.VMEM((_CG, D // 2), F32),
            pltpu.VMEM((8, D), F32),
            pltpu.VMEM((8, D // 2), F32),
            pltpu.SemaphoreType.DMA,
            pltpu.SemaphoreType.DMA,
            pltpu.SemaphoreType.DMA,
            pltpu.SemaphoreType.DMA,
        ],
        compiler_params=pltpu.CompilerParams(use_tc_tiling_on_sc=False),
    )(body)
    return f(T1, T2, src, tgt)



_BE = 3200


def _unpack_lo(u):
    return lax.bitcast_convert_type(u << 16, F32)


def _unpack_hi(u):
    return lax.bitcast_convert_type(u & jnp.uint32(0xFFFF0000), F32)


def _edge_body(g1_ref, g2_ref, ef_ref, dt_ref, wm2_ref, bm_ref, wk2_ref,
               wv_ref, fr_ref, ph_ref, p64_ref, pt_ref, out_ref):
    u1 = lax.bitcast_convert_type(g1_ref[...], jnp.uint32)
    a = _unpack_lo(u1)
    kg = _unpack_hi(u1)
    u2 = lax.bitcast_convert_type(g2_ref[...], jnp.uint32)
    qlo = _unpack_lo(u2)
    qhi = _unpack_hi(u2)
    msg_pre = a + jnp.dot(ef_ref[...], wm2_ref[...],
                          preferred_element_type=F32) + bm_ref[...]
    msg = msg_pre / (1.0 + jnp.exp(-msg_pre))
    v = jnp.dot(msg, wv_ref[...], preferred_element_type=F32)
    x = jnp.dot(dt_ref[...], fr_ref[...],
                preferred_element_type=F32) + ph_ref[...]
    r = x - jnp.floor(x * _INV_2PI + 0.5) * _TWO_PI
    r2 = r * r
    te = _COS_C[6]
    for c in (_COS_C[5], _COS_C[4], _COS_C[3], _COS_C[2], _COS_C[1],
              _COS_C[0]):
        te = te * r2 + c
    k = kg + jnp.dot(te, wk2_ref[...], preferred_element_type=F32)
    prod = qlo * k[:, :D // 2] + qhi * k[:, D // 2:]
    s = jnp.dot(prod, p64_ref[...],
                preferred_element_type=F32) * _INV_SQRT_DH
    ex = jnp.exp(s)
    out_ref[:, :D] = v * jnp.dot(ex, pt_ref[...], preferred_element_type=F32)
    out_ref[:, D:D + H] = ex
    out_ref[:, D + H:] = jnp.zeros((_BE, 12), F32)


def _edge_call(g1, g2, ef, dt2, Wm2, bm, Wk2w, Wv, fr, ph, P64, PT):
    ec = g1.shape[0]
    grid = (ec // _BE,)
    return pl.pallas_call(
        _edge_body,
        grid=grid,
        in_specs=[
            pl.BlockSpec((_BE, D), lambda i: (i, 0)),
            pl.BlockSpec((_BE, D // 2), lambda i: (i, 0)),
            pl.BlockSpec((_BE, ED), lambda i: (i, 0)),
            pl.BlockSpec((_BE, 1), lambda i: (i, 0)),
            pl.BlockSpec((ED, D), lambda i: (0, 0)),
            pl.BlockSpec((1, D), lambda i: (0, 0)),
            pl.BlockSpec((TD, D), lambda i: (0, 0)),
            pl.BlockSpec((D, D), lambda i: (0, 0)),
            pl.BlockSpec((1, TD), lambda i: (0, 0)),
            pl.BlockSpec((1, TD), lambda i: (0, 0)),
            pl.BlockSpec((D // 2, H), lambda i: (0, 0)),
            pl.BlockSpec((H, D), lambda i: (0, 0)),
        ],
        out_specs=pl.BlockSpec((_BE, D + ED), lambda i: (i, 0)),
        out_shape=jax.ShapeDtypeStruct((ec, D + ED), F32),
    )(g1, g2, ef, dt2, Wm2, bm, Wk2w, Wv, fr, ph, P64, PT)



_CS = 80
_NP = 10240
_RPT = _NP // 16
_AW = D + ED


_RZ = 80


def _scatter_call(o_chunks, tgt, zeros_blk):
    assert len(o_chunks) == 1
    O = o_chunks[0]
    ept = O.shape[0] // 16
    nck = ept // _CS
    assert nck % 2 == 0

    def body(o_hbm, tgt_hbm, z_hbm, acc_hbm, ia, ra, ib, rb,
             sia, sra, sib, srb, accsh):
        s = lax.axis_index("s")
        zb = ra.at[pl.ds(0, _RZ)]
        pltpu.sync_copy(z_hbm, zb)

        def zc(j, carry):
            pltpu.sync_copy(zb, accsh.at[pl.ds(s * _RPT + j * _RZ, _RZ)])
            return carry

        lax.fori_loop(0, _RPT // _RZ, zc, 0)
        plsc.subcore_barrier()
        base = s * ept

        def start(c, ix, rx, si, sr):
            off = base + c * _CS
            pltpu.async_copy(tgt_hbm.at[pl.ds(off, _CS)], ix, si)
            pltpu.async_copy(o_hbm.at[pl.ds(off, _CS)], rx, sr)

        def drain(ix, rx, si, sr):
            pltpu.make_async_copy(tgt_hbm.at[pl.ds(0, _CS)], ix, si).wait()
            pltpu.make_async_copy(o_hbm.at[pl.ds(0, _CS)], rx, sr).wait()
            pltpu.sync_copy(rx, accsh.at[ix], add=True)

        start(0, ia, ra, sia, sra)
        start(1, ib, rb, sib, srb)

        def pair(p, carry):
            c = 2 * p
            drain(ia, ra, sia, sra)
            start(c + 2, ia, ra, sia, sra)
            drain(ib, rb, sib, srb)
            start(c + 3, ib, rb, sib, srb)
            return carry

        lax.fori_loop(0, nck // 2 - 1, pair, 0)
        drain(ia, ra, sia, sra)
        drain(ib, rb, sib, srb)
        plsc.subcore_barrier()

        def rc(j, carry):
            pltpu.sync_copy(accsh.at[pl.ds(s * _RPT + j * _RZ, _RZ)], zb)
            pltpu.sync_copy(zb, acc_hbm.at[pl.ds(s * _RPT + j * _RZ, _RZ)])
            return carry

        lax.fori_loop(0, _RPT // _RZ, rc, 0)

    mesh = plsc.VectorSubcoreMesh(core_axis_name="c", subcore_axis_name="s", num_cores=1, num_subcores=16)
    f = functools.partial(
        pl.kernel,
        out_type=jax.ShapeDtypeStruct((_NP, _AW), F32),
        mesh=mesh,
        scratch_types=[
            pltpu.VMEM((_CS,), jnp.int32),
            pltpu.VMEM((_CS, _AW), F32),
            pltpu.VMEM((_CS,), jnp.int32),
            pltpu.VMEM((_CS, _AW), F32),
            pltpu.SemaphoreType.DMA,
            pltpu.SemaphoreType.DMA,
            pltpu.SemaphoreType.DMA,
            pltpu.SemaphoreType.DMA,
            pltpu.VMEM_SHARED((_NP, _AW), F32),
        ],
        compiler_params=pltpu.CompilerParams(use_tc_tiling_on_sc=False),
    )(body)
    return f(O, tgt, zeros_blk)



def _post_body(h_ref, a0_ref, a1_ref, wo_ref, w1_ref, b1_ref, w2_ref, b2_ref,
               w3_ref, b3_ref, t_ref, fr_ref, ph_ref, pt_ref, out_ref):
    acc = a0_ref[...] + a1_ref[...]
    den = acc[:, D:D + H] + 1e-16
    aggpre = acc[:, :D] * jnp.dot(1.0 / den, pt_ref[...],
                                  preferred_element_type=F32)
    agg = jnp.dot(aggpre, wo_ref[...], preferred_element_type=F32)
    tf = jnp.cos(t_ref[...] * fr_ref[...] + ph_ref[...])
    x = jnp.concatenate(
        [h_ref[...], agg, jnp.broadcast_to(tf, (_RB, TD))], axis=1)
    x1p = jnp.dot(x, w1_ref[...], preferred_element_type=F32) + b1_ref[...]
    x1 = x1p / (1.0 + jnp.exp(-x1p))
    x2p = jnp.dot(x1, w2_ref[...], preferred_element_type=F32) + b2_ref[...]
    x2 = x2p / (1.0 + jnp.exp(-x2p))
    out_ref[...] = jnp.dot(x2, w3_ref[...],
                           preferred_element_type=F32) + b3_ref[...]


def _post_call(h, a0, a1, Wo, W1, b1, W2, b2, W3, b3, t11, fr, ph, PT):
    grid = (N // _RB,)
    return pl.pallas_call(
        _post_body,
        grid=grid,
        in_specs=[
            pl.BlockSpec((_RB, D), lambda i: (i, 0)),
            pl.BlockSpec((_RB, _AW), lambda i: (i, 0)),
            pl.BlockSpec((_RB, _AW), lambda i: (i, 0)),
            pl.BlockSpec((D, D), lambda i: (0, 0)),
            pl.BlockSpec((2 * D + TD, 256), lambda i: (0, 0)),
            pl.BlockSpec((1, 256), lambda i: (0, 0)),
            pl.BlockSpec((256, 256), lambda i: (0, 0)),
            pl.BlockSpec((1, 256), lambda i: (0, 0)),
            pl.BlockSpec((256, D), lambda i: (0, 0)),
            pl.BlockSpec((1, D), lambda i: (0, 0)),
            pl.BlockSpec((1, 1), lambda i: (0, 0)),
            pl.BlockSpec((1, TD), lambda i: (0, 0)),
            pl.BlockSpec((1, TD), lambda i: (0, 0)),
            pl.BlockSpec((H, D), lambda i: (0, 0)),
        ],
        out_specs=pl.BlockSpec((_RB, D), lambda i: (i, 0)),
        out_shape=jax.ShapeDtypeStruct((N, D), F32),
    )(h, a0, a1, Wo, W1, b1, W2, b2, W3, b3, t11, fr, ph, PT)



def kernel(t, h, edge_index, edge_features, delta_t, W_msg, b_msg, freq,
           phase, Wq, Wk, Wv, Wo, W1, b1, W2, b2, W3, b3):
    tgt = edge_index[0]
    src = edge_index[1]
    Wm2 = W_msg[D:]
    tau = jnp.concatenate([2 * jnp.arange(D // 2), 2 * jnp.arange(D // 2) + 1])
    Wlo = jnp.concatenate([W_msg[:D], Wq[:, 0::2]], axis=1)
    Whi = jnp.concatenate([Wk[:D][:, tau], Wq[:, 1::2]], axis=1)
    Wk2w = Wk[D:][:, tau]
    P64 = jnp.zeros((D // 2, H), F32).at[
        jnp.arange(D // 2), jnp.arange(D // 2) // (DH // 2)].set(1.0)
    PT = jnp.zeros((D, H), F32).at[
        jnp.arange(D), jnp.arange(D) // DH].set(1.0).T
    fr = freq.reshape(1, TD)
    ph = phase.reshape(1, TD)

    T1v, T2v = _pre_call(h, Wlo, Whi)
    nch = 1
    ech = E // nch
    dt2 = delta_t.reshape(E, 1)
    bm = b_msg.reshape(1, D)
    o_chunks = []
    for ci in range(nch):
        sl = slice(ci * ech, (ci + 1) * ech)
        g1v, g2v = _gather_call(T1v, T2v, src[sl], tgt[sl], ech)
        o_chunks.append(_edge_call(g1v, g2v, edge_features[sl], dt2[sl],
                                   Wm2, bm, Wk2w, Wv, fr, ph, P64, PT))
    acc = _scatter_call(o_chunks, tgt, jnp.zeros((_RZ, _AW), F32))
    dh = _post_call(h, acc[:N], acc[:N] * 0.0, Wo, W1, b1.reshape(1, 256), W2,
                    b2.reshape(1, 256), W3, b3.reshape(1, D),
                    jnp.asarray(t, F32).reshape(1, 1), fr, ph, PT)
    return dh

# --- scband reference (transcript-rebuilt; emitter-appended) ---
"""Pipeline reference for scband-neural-odefunc-953482740302 (READ-ONLY COPY).

The authoritative reference and input builder live on the scoring server;
editing this copy changes nothing except your own understanding.
"""

import jax, jax.numpy as jnp
import numpy as np

N = 10000
E = 320000
D = 128
ED = 16
H = 4
DH = D // H
TD = 32

def _silu(x):
    return x * jax.nn.sigmoid(x)

def _time_enc(tv, freq, phase):
    return jnp.cos(tv[..., None] * freq[None, :] + phase[None, :])

def setup_inputs(seed: int = 0):
    key = jax.random.key(seed)
    ks = jax.random.split(key, 24)
    inp = {}
    inp["t"] = jnp.asarray(0.5, dtype=jnp.float32)
    inp["h"] = jax.random.normal(ks[0], (N, D), dtype=jnp.float32)
    inp["edge_index"] = jax.random.randint(ks[1], (2, E), 0, N, dtype=jnp.int32)
    inp["edge_features"] = jax.random.normal(ks[2], (E, ED), dtype=jnp.float32)
    inp["delta_t"] = jax.random.uniform(ks[3], (E,), dtype=jnp.float32)
    inp["W_msg"] = jax.random.normal(ks[4], (D + ED, D), dtype=jnp.float32) / np.sqrt(D + ED)
    inp["b_msg"] = jnp.zeros((D,), dtype=jnp.float32)
    inp["freq"] = jax.random.normal(ks[5], (TD,), dtype=jnp.float32)
    inp["phase"] = jax.random.normal(ks[6], (TD,), dtype=jnp.float32)
    inp["Wq"] = jax.random.normal(ks[7], (D, D), dtype=jnp.float32) / np.sqrt(D)
    inp["Wk"] = jax.random.normal(ks[8], (D + TD, D), dtype=jnp.float32) / np.sqrt(D + TD)
    inp["Wv"] = jax.random.normal(ks[9], (D, D), dtype=jnp.float32) / np.sqrt(D)
    inp["Wo"] = jax.random.normal(ks[10], (D, D), dtype=jnp.float32) / np.sqrt(D)
    inp["W1"] = jax.random.normal(ks[11], (2 * D + TD, 256), dtype=jnp.float32) / np.sqrt(2 * D + TD)
    inp["b1"] = jnp.zeros((256,), dtype=jnp.float32)
    inp["W2"] = jax.random.normal(ks[12], (256, 256), dtype=jnp.float32) / np.sqrt(256)
    inp["b2"] = jnp.zeros((256,), dtype=jnp.float32)
    inp["W3"] = jax.random.normal(ks[13], (256, D), dtype=jnp.float32) / np.sqrt(256)
    inp["b3"] = jnp.zeros((D,), dtype=jnp.float32)
    return inp

def reference(t, h, edge_index, edge_features, delta_t, W_msg, b_msg, freq, phase, Wq, Wk, Wv, Wo, W1, b1, W2, b2, W3, b3):
    tgt = edge_index[0]
    src = edge_index[1]
    src_h = h[src]
    msg = _silu(jnp.concatenate([src_h, edge_features], axis=-1) @ W_msg + b_msg)
    te = _time_enc(delta_t, freq, phase)
    q = (h @ Wq)[tgt].reshape(E, H, DH)
    k = (jnp.concatenate([src_h, te], axis=-1) @ Wk).reshape(E, H, DH)
    v = (msg @ Wv).reshape(E, H, DH)
    scores = (q * k).sum(-1) / np.sqrt(DH)
    smax = jax.ops.segment_max(scores, tgt, num_segments=N)
    smax = jnp.where(jnp.isfinite(smax), smax, 0.0)
    ex = jnp.exp(scores - smax[tgt])
    den = jax.ops.segment_sum(ex, tgt, num_segments=N)[tgt] + 1e-16
    attn = ex / den
    agg = jax.ops.segment_sum(attn[..., None] * v, tgt, num_segments=N).reshape(N, D) @ Wo
    t_vec = jnp.broadcast_to(jnp.asarray(t, jnp.float32).reshape(()), (N,))
    t_feat = _time_enc(t_vec, freq, phase)
    x = jnp.concatenate([h, agg, t_feat], axis=-1)
    x = _silu(x @ W1 + b1)
    x = _silu(x @ W2 + b2)
    dh = x @ W3 + b3
    return dh

if __name__ == "__main__":
    import jax
    _d = setup_inputs()
    print(jax.jit(kernel)(*tuple(_d.values())))

</pallas_src>

<mosaic_0001>
#map = affine_map<(d0, d1) -> (0, 0)>
#map1 = affine_map<(d0, d1) -> (0)>
module attributes {stable_mosaic.version = 14 : i64} {
  func.func @body(%arg0: i32, %arg1: i32, %arg2: memref<10000x128xf32, #tpu.memory_space<hbm>>, %arg3: memref<10000x64xf32, #tpu.memory_space<hbm>>, %arg4: memref<320000xi32, #tpu.memory_space<hbm>>, %arg5: memref<320000xi32, #tpu.memory_space<hbm>>, %arg6: memref<320000x128xf32, #tpu.memory_space<hbm>>, %arg7: memref<320000x64xf32, #tpu.memory_space<hbm>>, %arg8: memref<400xi32, #tpu.memory_space<vmem>>, %arg9: memref<400xi32, #tpu.memory_space<vmem>>, %arg10: memref<400x128xf32, #tpu.memory_space<vmem>>, %arg11: memref<400x64xf32, #tpu.memory_space<vmem>>, %arg12: memref<8x128xf32, #tpu.memory_space<vmem>>, %arg13: memref<8x64xf32, #tpu.memory_space<vmem>>, %arg14: memref<!tpu.dma_semaphore, #tpu.memory_space<semaphore_mem>>, %arg15: memref<!tpu.dma_semaphore, #tpu.memory_space<semaphore_mem>>, %arg16: memref<!tpu.dma_semaphore, #tpu.memory_space<semaphore_mem>>, %arg17: memref<!tpu.dma_semaphore, #tpu.memory_space<semaphore_mem>>) attributes {dimension_semantics = [#tpu.dimension_semantics<core_parallel>, #tpu.dimension_semantics<subcore_parallel>], iteration_bounds = array<i64: 2, 16>, scalar_prefetch = 0 : i64, scratch_operands = 10 : i64, tpu.core_type = #tpu.core_type<sc_vector_subcore>, window_params = [{transform_indices = #map}, {transform_indices = #map}, {transform_indices = #map1}, {transform_indices = #map1}, {transform_indices = #map}, {transform_indices = #map}]} {
    %mul3A = arith.constant 2 : i32
    %mul3A_0 = arith.muli %arg1, %mul3A : i32
    %add3A = arith.addi %mul3A_0, %arg0 : i32
    %mul3A_1 = arith.constant 10000 : i32
    %mul3A_2 = arith.muli %add3A, %mul3A_1 : i32
    %scan3A = arith.constant 0 : i32
    %scan3A_3 = arith.constant 0 : i32
    %scan3A_4 = arith.constant 25 : i32
    %scan3A_5 = arith.addi %scan3A_3, %scan3A_4 : i32
    %scan3A_6 = arith.constant 1 : i32
    scf.for %scan3A_8 = %scan3A_3 to %scan3A_5 step %scan3A_6  : i32 {
      %mul3A_9 = arith.constant 400 : i32
      %mul3A_10 = arith.muli %scan3A_8, %mul3A_9 : i32
      %add3A_11 = arith.addi %mul3A_2, %mul3A_10 : i32
      "tpu.region"() ({
        %run_scoped3A = tpu.sem_alloc : memref<!tpu.dma_semaphore, #tpu.memory_space<semaphore_mem>>
        %dma_start3A_22 = tpu.memref_slice %arg4[%add3A_11] : memref<320000xi32, #tpu.memory_space<hbm>> -> memref<400xi32, #tpu.memory_space<hbm>>
        %dma_start3A_23 = tpu.memref_slice %arg4[%add3A_11] : memref<320000xi32, #tpu.memory_space<hbm>> -> memref<400xi32, #tpu.memory_space<hbm>>
        tpu.enqueue_dma source(%dma_start3A_23 : memref<400xi32, #tpu.memory_space<hbm>>) target(%arg8 : memref<400xi32, #tpu.memory_space<vmem>>) target_semaphore(%run_scoped3A : memref<!tpu.dma_semaphore, #tpu.memory_space<semaphore_mem>>)
        %dma_wait3A_24 = tpu.memref_slice %arg4[%add3A_11] : memref<320000xi32, #tpu.memory_space<hbm>> -> memref<400xi32, #tpu.memory_space<hbm>>
        %dma_wait3A_25 = tpu.memref_slice %arg4[%add3A_11] : memref<320000xi32, #tpu.memory_space<hbm>> -> memref<400xi32, #tpu.memory_space<hbm>>
        tpu.wait_dma2 semaphore(%run_scoped3A : memref<!tpu.dma_semaphore, #tpu.memory_space<semaphore_mem>>) src(%dma_wait3A_25 : memref<400xi32, #tpu.memory_space<hbm>>) dst(%arg8 : memref<400xi32, #tpu.memory_space<vmem>>)
        tpu.yield
      }) : () -> ()
      "tpu.region"() ({
        %run_scoped3A = tpu.sem_alloc : memref<!tpu.dma_semaphore, #tpu.memory_space<semaphore_mem>>
        %dma_start3A_22 = tpu.memref_slice %arg5[%add3A_11] : memref<320000xi32, #tpu.memory_space<hbm>> -> memref<400xi32, #tpu.memory_space<hbm>>
        %dma_start3A_23 = tpu.memref_slice %arg5[%add3A_11] : memref<320000xi32, #tpu.memory_space<hbm>> -> memref<400xi32, #tpu.memory_space<hbm>>
        tpu.enqueue_dma source(%dma_start3A_23 : memref<400xi32, #tpu.memory_space<hbm>>) target(%arg9 : memref<400xi32, #tpu.memory_space<vmem>>) target_semaphore(%run_scoped3A : memref<!tpu.dma_semaphore, #tpu.memory_space<semaphore_mem>>)
        %dma_wait3A_24 = tpu.memref_slice %arg5[%add3A_11] : memref<320000xi32, #tpu.memory_space<hbm>> -> memref<400xi32, #tpu.memory_space<hbm>>
        %dma_wait3A_25 = tpu.memref_slice %arg5[%add3A_11] : memref<320000xi32, #tpu.memory_space<hbm>> -> memref<400xi32, #tpu.memory_space<hbm>>
        tpu.wait_dma2 semaphore(%run_scoped3A : memref<!tpu.dma_semaphore, #tpu.memory_space<semaphore_mem>>) src(%dma_wait3A_25 : memref<400xi32, #tpu.memory_space<hbm>>) dst(%arg9 : memref<400xi32, #tpu.memory_space<vmem>>)
        tpu.yield
      }) : () -> ()
      %dma_start3A = arith.constant 0 : i32
      %dma_start3A_12 = arith.constant 0 : i32
      %dma_start3A_13 = tpu.memref_slice %arg2[%dma_start3A, %dma_start3A_12] : memref<10000x128xf32, #tpu.memory_space<hbm>> -> memref<10000x128xf32, #tpu.memory_space<hbm>>
      tpu.enqueue_indirect_dma source(%dma_start3A_13 : memref<10000x128xf32, #tpu.memory_space<hbm>>) target(%arg10 : memref<400x128xf32, #tpu.memory_space<vmem>>) offsets(%arg8 : memref<400xi32, #tpu.memory_space<vmem>>) semaphore(%arg14 : memref<!tpu.dma_semaphore, #tpu.memory_space<semaphore_mem>>)
      %dma_start3A_14 = arith.constant 0 : i32
      %dma_start3A_15 = arith.constant 0 : i32
      %dma_start3A_16 = tpu.memref_slice %arg3[%dma_start3A_14, %dma_start3A_15] : memref<10000x64xf32, #tpu.memory_space<hbm>> -> memref<10000x64xf32, #tpu.memory_space<hbm>>
      tpu.enqueue_indirect_dma source(%dma_start3A_16 : memref<10000x64xf32, #tpu.memory_space<hbm>>) target(%arg11 : memref<400x64xf32, #tpu.memory_space<vmem>>) offsets(%arg9 : memref<400xi32, #tpu.memory_space<vmem>>) semaphore(%arg15 : memref<!tpu.dma_semaphore, #tpu.memory_space<semaphore_mem>>)
      %dma_wait3A = arith.constant 0 : i32
      %dma_wait3A_17 = arith.constant 0 : i32
      %dma_wait3A_18 = tpu.memref_slice %arg2[%dma_wait3A, %dma_wait3A_17] : memref<10000x128xf32, #tpu.memory_space<hbm>> -> memref<10000x128xf32, #tpu.memory_space<hbm>>
      tpu.wait_indirect_dma semaphore(%arg14 : memref<!tpu.dma_semaphore, #tpu.memory_space<semaphore_mem>>) src(%dma_wait3A_18 : memref<10000x128xf32, #tpu.memory_space<hbm>>) dst(%arg10 : memref<400x128xf32, #tpu.memory_space<vmem>>)
      %dma_wait3A_19 = arith.constant 0 : i32
      %dma_wait3A_20 = arith.constant 0 : i32
      %dma_wait3A_21 = tpu.memref_slice %arg3[%dma_wait3A_19, %dma_wait3A_20] : memref<10000x64xf32, #tpu.memory_space<hbm>> -> memref<10000x64xf32, #tpu.memory_space<hbm>>
      tpu.wait_indirect_dma semaphore(%arg15 : memref<!tpu.dma_semaphore, #tpu.memory_space<semaphore_mem>>) src(%dma_wait3A_21 : memref<10000x64xf32, #tpu.memory_space<hbm>>) dst(%arg11 : memref<400x64xf32, #tpu.memory_space<vmem>>)
      "tpu.region"() ({
        %run_scoped3A = tpu.sem_alloc : memref<!tpu.dma_semaphore, #tpu.memory_space<semaphore_mem>>
        %dma_start3A_22 = arith.constant 0 : i32
        %dma_start3A_23 = tpu.memref_slice %arg6[%add3A_11, %dma_start3A_22] : memref<320000x128xf32, #tpu.memory_space<hbm>> -> memref<400x128xf32, #tpu.memory_space<hbm>>
        %dma_start3A_24 = arith.constant 0 : i32
        %dma_start3A_25 = tpu.memref_slice %arg6[%add3A_11, %dma_start3A_24] : memref<320000x128xf32, #tpu.memory_space<hbm>> -> memref<400x128xf32, #tpu.memory_space<hbm>>
        tpu.enqueue_dma source(%arg10 : memref<400x128xf32, #tpu.memory_space<vmem>>) target(%dma_start3A_25 : memref<400x128xf32, #tpu.memory_space<hbm>>) target_semaphore(%run_scoped3A : memref<!tpu.dma_semaphore, #tpu.memory_space<semaphore_mem>>)
        %dma_wait3A_26 = arith.constant 0 : i32
        %dma_wait3A_27 = tpu.memref_slice %arg6[%add3A_11, %dma_wait3A_26] : memref<320000x128xf32, #tpu.memory_space<hbm>> -> memref<400x128xf32, #tpu.memory_space<hbm>>
        %dma_wait3A_28 = arith.constant 0 : i32
        %dma_wait3A_29 = tpu.memref_slice %arg6[%add3A_11, %dma_wait3A_28] : memref<320000x128xf32, #tpu.memory_space<hbm>> -> memref<400x128xf32, #tpu.memory_space<hbm>>
        tpu.wait_dma2 semaphore(%run_scoped3A : memref<!tpu.dma_semaphore, #tpu.memory_space<semaphore_mem>>) src(%arg10 : memref<400x128xf32, #tpu.memory_space<vmem>>) dst(%dma_wait3A_29 : memref<400x128xf32, #tpu.memory_space<hbm>>)
        tpu.yield
      }) : () -> ()
      "tpu.region"() ({
        %run_scoped3A = tpu.sem_alloc : memref<!tpu.dma_semaphore, #tpu.memory_space<semaphore_mem>>
        %dma_start3A_22 = arith.constant 0 : i32
        %dma_start3A_23 = tpu.memref_slice %arg7[%add3A_11, %dma_start3A_22] : memref<320000x64xf32, #tpu.memory_space<hbm>> -> memref<400x64xf32, #tpu.memory_space<hbm>>
        %dma_start3A_24 = arith.constant 0 : i32
        %dma_start3A_25 = tpu.memref_slice %arg7[%add3A_11, %dma_start3A_24] : memref<320000x64xf32, #tpu.memory_space<hbm>> -> memref<400x64xf32, #tpu.memory_space<hbm>>
        tpu.enqueue_dma source(%arg11 : memref<400x64xf32, #tpu.memory_space<vmem>>) target(%dma_start3A_25 : memref<400x64xf32, #tpu.memory_space<hbm>>) target_semaphore(%run_scoped3A : memref<!tpu.dma_semaphore, #tpu.memory_space<semaphore_mem>>)
        %dma_wait3A_26 = arith.constant 0 : i32
        %dma_wait3A_27 = tpu.memref_slice %arg7[%add3A_11, %dma_wait3A_26] : memref<320000x64xf32, #tpu.memory_space<hbm>> -> memref<400x64xf32, #tpu.memory_space<hbm>>
        %dma_wait3A_28 = arith.constant 0 : i32
        %dma_wait3A_29 = tpu.memref_slice %arg7[%add3A_11, %dma_wait3A_28] : memref<320000x64xf32, #tpu.memory_space<hbm>> -> memref<400x64xf32, #tpu.memory_space<hbm>>
        tpu.wait_dma2 semaphore(%run_scoped3A : memref<!tpu.dma_semaphore, #tpu.memory_space<semaphore_mem>>) src(%arg11 : memref<400x64xf32, #tpu.memory_space<vmem>>) dst(%dma_wait3A_29 : memref<400x64xf32, #tpu.memory_space<hbm>>)
        tpu.yield
      }) : () -> ()
    }
    %scan3A_7 = arith.constant 25 : i32
    return
  }
}

#map = affine_map<(d0, d1) -> (0, 0)>
#map1 = affine_map<(d0, d1) -> (0)>
module attributes {stable_mosaic.version = 14 : i64} {
  func.func @body(%arg0: i32, %arg1: i32, %arg2: memref<320000x144xf32, #tpu.memory_space<hbm>>, %arg3: memref<320000xi32, #tpu.memory_space<hbm>>, %arg4: memref<80x144xf32, #tpu.memory_space<hbm>>, %arg5: memref<10240x144xf32, #tpu.memory_space<hbm>>, %arg6: memref<80xi32, #tpu.memory_space<vmem>>, %arg7: memref<80x144xf32, #tpu.memory_space<vmem>>, %arg8: memref<80xi32, #tpu.memory_space<vmem>>, %arg9: memref<80x144xf32, #tpu.memory_space<vmem>>, %arg10: memref<!tpu.dma_semaphore, #tpu.memory_space<semaphore_mem>>, %arg11: memref<!tpu.dma_semaphore, #tpu.memory_space<semaphore_mem>>, %arg12: memref<!tpu.dma_semaphore, #tpu.memory_space<semaphore_mem>>, %arg13: memref<!tpu.dma_semaphore, #tpu.memory_space<semaphore_mem>>, %arg14: memref<10240x144xf32, #tpu.memory_space<vmem_shared>>) attributes {dimension_semantics = [#tpu.dimension_semantics<core_parallel>, #tpu.dimension_semantics<subcore_parallel>], iteration_bounds = array<i64: 1, 16>, scalar_prefetch = 0 : i64, scratch_operands = 9 : i64, tpu.core_type = #tpu.core_type<sc_vector_subcore>, window_params = [{transform_indices = #map}, {transform_indices = #map1}, {transform_indices = #map}, {transform_indices = #map}]} {
    "tpu.region"() ({
      %run_scoped3A = tpu.sem_alloc : memref<!tpu.dma_semaphore, #tpu.memory_space<semaphore_mem>>
      %dma_start3A_52 = arith.constant 0 : i32
      %dma_start3A_53 = arith.constant 0 : i32
      %dma_start3A_54 = tpu.memref_slice %arg7[%dma_start3A_52, %dma_start3A_53] : memref<80x144xf32, #tpu.memory_space<vmem>> -> memref<80x144xf32, #tpu.memory_space<vmem>>
      %dma_start3A_55 = arith.constant 0 : i32
      %dma_start3A_56 = arith.constant 0 : i32
      %dma_start3A_57 = tpu.memref_slice %arg7[%dma_start3A_55, %dma_start3A_56] : memref<80x144xf32, #tpu.memory_space<vmem>> -> memref<80x144xf32, #tpu.memory_space<vmem>>
      tpu.enqueue_dma source(%arg4 : memref<80x144xf32, #tpu.memory_space<hbm>>) target(%dma_start3A_57 : memref<80x144xf32, #tpu.memory_space<vmem>>) target_semaphore(%run_scoped3A : memref<!tpu.dma_semaphore, #tpu.memory_space<semaphore_mem>>)
      %dma_wait3A_58 = arith.constant 0 : i32
      %dma_wait3A_59 = arith.constant 0 : i32
      %dma_wait3A_60 = tpu.memref_slice %arg7[%dma_wait3A_58, %dma_wait3A_59] : memref<80x144xf32, #tpu.memory_space<vmem>> -> memref<80x144xf32, #tpu.memory_space<vmem>>
      %dma_wait3A_61 = arith.constant 0 : i32
      %dma_wait3A_62 = arith.constant 0 : i32
      %dma_wait3A_63 = tpu.memref_slice %arg7[%dma_wait3A_61, %dma_wait3A_62] : memref<80x144xf32, #tpu.memory_space<vmem>> -> memref<80x144xf32, #tpu.memory_space<vmem>>
      tpu.wait_dma2 semaphore(%run_scoped3A : memref<!tpu.dma_semaphore, #tpu.memory_space<semaphore_mem>>) src(%arg4 : memref<80x144xf32, #tpu.memory_space<hbm>>) dst(%dma_wait3A_63 : memref<80x144xf32, #tpu.memory_space<vmem>>)
      tpu.yield
    }) : () -> ()
    %scan3A = arith.constant 0 : i32
    %scan3A_0 = arith.constant 0 : i32
    %scan3A_1 = arith.constant 8 : i32
    %scan3A_2 = arith.addi %scan3A_0, %scan3A_1 : i32
    %scan3A_3 = arith.constant 1 : i32
    scf.for %scan3A_52 = %scan3A_0 to %scan3A_2 step %scan3A_3  : i32 {
      %mul3A_53 = arith.constant 640 : i32
      %mul3A_54 = arith.muli %arg1, %mul3A_53 : i32
      %mul3A_55 = arith.constant 80 : i32
      %mul3A_56 = arith.muli %scan3A_52, %mul3A_55 : i32
      %add3A_57 = arith.addi %mul3A_54, %mul3A_56 : i32
      "tpu.region"() ({
        %run_scoped3A = tpu.sem_alloc : memref<!tpu.dma_semaphore, #tpu.memory_space<semaphore_mem>>
        %dma_start3A_58 = arith.constant 0 : i32
        %dma_start3A_59 = arith.constant 0 : i32
        %dma_start3A_60 = tpu.memref_slice %arg7[%dma_start3A_58, %dma_start3A_59] : memref<80x144xf32, #tpu.memory_space<vmem>> -> memref<80x144xf32, #tpu.memory_space<vmem>>
        %dma_start3A_61 = arith.constant 0 : i32
        %dma_start3A_62 = tpu.memref_slice %arg14[%add3A_57, %dma_start3A_61] : memref<10240x144xf32, #tpu.memory_space<vmem_shared>> -> memref<80x144xf32, #tpu.memory_space<vmem_shared>>
        %dma_start3A_63 = arith.constant 0 : i32
        %dma_start3A_64 = tpu.memref_slice %arg14[%add3A_57, %dma_start3A_63] : memref<10240x144xf32, #tpu.memory_space<vmem_shared>> -> memref<80x144xf32, #tpu.memory_space<vmem_shared>>
        %dma_start3A_65 = arith.constant 0 : i32
        %dma_start3A_66 = arith.constant 0 : i32
        %dma_start3A_67 = tpu.memref_slice %arg7[%dma_start3A_65, %dma_start3A_66] : memref<80x144xf32, #tpu.memory_space<vmem>> -> memref<80x144xf32, #tpu.memory_space<vmem>>
        tpu.enqueue_dma source(%dma_start3A_67 : memref<80x144xf32, #tpu.memory_space<vmem>>) target(%dma_start3A_64 : memref<80x144xf32, #tpu.memory_space<vmem_shared>>) target_semaphore(%run_scoped3A : memref<!tpu.dma_semaphore, #tpu.memory_space<semaphore_mem>>)
        %dma_wait3A_68 = arith.constant 0 : i32
        %dma_wait3A_69 = arith.constant 0 : i32
        %dma_wait3A_70 = tpu.memref_slice %arg7[%dma_wait3A_68, %dma_wait3A_69] : memref<80x144xf32, #tpu.memory_space<vmem>> -> memref<80x144xf32, #tpu.memory_space<vmem>>
        %dma_wait3A_71 = arith.constant 0 : i32
        %dma_wait3A_72 = tpu.memref_slice %arg14[%add3A_57, %dma_wait3A_71] : memref<10240x144xf32, #tpu.memory_space<vmem_shared>> -> memref<80x144xf32, #tpu.memory_space<vmem_shared>>
        %dma_wait3A_73 = arith.constant 0 : i32
        %dma_wait3A_74 = tpu.memref_slice %arg14[%add3A_57, %dma_wait3A_73] : memref<10240x144xf32, #tpu.memory_space<vmem_shared>> -> memref<80x144xf32, #tpu.memory_space<vmem_shared>>
        %dma_wait3A_75 = arith.constant 0 : i32
        %dma_wait3A_76 = arith.constant 0 : i32
        %dma_wait3A_77 = tpu.memref_slice %arg7[%dma_wait3A_75, %dma_wait3A_76] : memref<80x144xf32, #tpu.memory_space<vmem>> -> memref<80x144xf32, #tpu.memory_space<vmem>>
        tpu.wait_dma2 semaphore(%run_scoped3A : memref<!tpu.dma_semaphore, #tpu.memory_space<semaphore_mem>>) src(%dma_wait3A_77 : memref<80x144xf32, #tpu.memory_space<vmem>>) dst(%dma_wait3A_74 : memref<80x144xf32, #tpu.memory_space<vmem_shared>>)
        tpu.yield
      }) : () -> ()
    }
    %scan3A_4 = arith.constant 8 : i32
    %barrier3A = arith.constant 0 : index
    tpu.barrier barrier_id(%barrier3A)
    %mul3A = arith.constant 20000 : i32
    %mul3A_5 = arith.muli %arg1, %mul3A : i32
    %add3A = arith.constant 0 : i32
    %add3A_6 = arith.addi %mul3A_5, %add3A : i32
    %dma_start3A = tpu.memref_slice %arg3[%add3A_6] : memref<320000xi32, #tpu.memory_space<hbm>> -> memref<80xi32, #tpu.memory_space<hbm>>
    %dma_start3A_7 = tpu.memref_slice %arg3[%add3A_6] : memref<320000xi32, #tpu.memory_space<hbm>> -> memref<80xi32, #tpu.memory_space<hbm>>
    tpu.enqueue_dma source(%dma_start3A_7 : memref<80xi32, #tpu.memory_space<hbm>>) target(%arg6 : memref<80xi32, #tpu.memory_space<vmem>>) target_semaphore(%arg10 : memref<!tpu.dma_semaphore, #tpu.memory_space<semaphore_mem>>)
    %dma_start3A_8 = arith.constant 0 : i32
    %dma_start3A_9 = tpu.memref_slice %arg2[%add3A_6, %dma_start3A_8] : memref<320000x144xf32, #tpu.memory_space<hbm>> -> memref<80x144xf32, #tpu.memory_space<hbm>>
    %dma_start3A_10 = arith.constant 0 : i32
    %dma_start3A_11 = tpu.memref_slice %arg2[%add3A_6, %dma_start3A_10] : memref<320000x144xf32, #tpu.memory_space<hbm>> -> memref<80x144xf32, #tpu.memory_space<hbm>>
    tpu.enqueue_dma source(%dma_start3A_11 : memref<80x144xf32, #tpu.memory_space<hbm>>) target(%arg7 : memref<80x144xf32, #tpu.memory_space<vmem>>) target_semaphore(%arg11 : memref<!tpu.dma_semaphore, #tpu.memory_space<semaphore_mem>>)
    %add3A_12 = arith.constant 80 : i32
    %add3A_13 = arith.addi %mul3A_5, %add3A_12 : i32
    %dma_start3A_14 = tpu.memref_slice %arg3[%add3A_13] : memref<320000xi32, #tpu.memory_space<hbm>> -> memref<80xi32, #tpu.memory_space<hbm>>
    %dma_start3A_15 = tpu.memref_slice %arg3[%add3A_13] : memref<320000xi32, #tpu.memory_space<hbm>> -> memref<80xi32, #tpu.memory_space<hbm>>
    tpu.enqueue_dma source(%dma_start3A_15 : memref<80xi32, #tpu.memory_space<hbm>>) target(%arg8 : memref<80xi32, #tpu.memory_space<vmem>>) target_semaphore(%arg12 : memref<!tpu.dma_semaphore, #tpu.memory_space<semaphore_mem>>)
    %dma_start3A_16 = arith.constant 0 : i32
    %dma_start3A_17 = tpu.memref_slice %arg2[%add3A_13, %dma_start3A_16] : memref<320000x144xf32, #tpu.memory_space<hbm>> -> memref<80x144xf32, #tpu.memory_space<hbm>>
    %dma_start3A_18 = arith.constant 0 : i32
    %dma_start3A_19 = tpu.memref_slice %arg2[%add3A_13, %dma_start3A_18] : memref<320000x144xf32, #tpu.memory_space<hbm>> -> memref<80x144xf32, #tpu.memory_space<hbm>>
    tpu.enqueue_dma source(%dma_start3A_19 : memref<80x144xf32, #tpu.memory_space<hbm>>) target(%arg9 : memref<80x144xf32, #tpu.memory_space<vmem>>) target_semaphore(%arg13 : memref<!tpu.dma_semaphore, #tpu.memory_space<semaphore_mem>>)
    %scan3A_20 = arith.constant 0 : i32
    %scan3A_21 = arith.constant 0 : i32
    %scan3A_22 = arith.constant 124 : i32
    %scan3A_23 = arith.addi %scan3A_21, %scan3A_22 : i32
    %scan3A_24 = arith.constant 1 : i32
    scf.for %scan3A_52 = %scan3A_21 to %scan3A_23 step %scan3A_24  : i32 {
      %mul3A_53 = arith.constant 2 : i32
      %mul3A_54 = arith.muli %mul3A_53, %scan3A_52 : i32
      %dma_wait3A_55 = arith.constant 0 : i32
      %dma_wait3A_56 = tpu.memref_slice %arg3[%dma_wait3A_55] : memref<320000xi32, #tpu.memory_space<hbm>> -> memref<80xi32, #tpu.memory_space<hbm>>
      %dma_wait3A_57 = arith.constant 0 : i32
      %dma_wait3A_58 = tpu.memref_slice %arg3[%dma_wait3A_57] : memref<320000xi32, #tpu.memory_space<hbm>> -> memref<80xi32, #tpu.memory_space<hbm>>
      tpu.wait_dma2 semaphore(%arg10 : memref<!tpu.dma_semaphore, #tpu.memory_space<semaphore_mem>>) src(%dma_wait3A_58 : memref<80xi32, #tpu.memory_space<hbm>>) dst(%arg6 : memref<80xi32, #tpu.memory_space<vmem>>)
      %dma_wait3A_59 = arith.constant 0 : i32
      %dma_wait3A_60 = arith.constant 0 : i32
      %dma_wait3A_61 = tpu.memref_slice %arg2[%dma_wait3A_59, %dma_wait3A_60] : memref<320000x144xf32, #tpu.memory_space<hbm>> -> memref<80x144xf32, #tpu.memory_space<hbm>>
      %dma_wait3A_62 = arith.constant 0 : i32
      %dma_wait3A_63 = arith.constant 0 : i32
      %dma_wait3A_64 = tpu.memref_slice %arg2[%dma_wait3A_62, %dma_wait3A_63] : memref<320000x144xf32, #tpu.memory_space<hbm>> -> memref<80x144xf32, #tpu.memory_space<hbm>>
      tpu.wait_dma2 semaphore(%arg11 : memref<!tpu.dma_semaphore, #tpu.memory_space<semaphore_mem>>) src(%dma_wait3A_64 : memref<80x144xf32, #tpu.memory_space<hbm>>) dst(%arg7 : memref<80x144xf32, #tpu.memory_space<vmem>>)
      "tpu.region"() ({
        %run_scoped3A = tpu.sem_alloc : memref<!tpu.dma_semaphore, #tpu.memory_space<semaphore_mem>>
        %dma_start3A_97 = arith.constant 0 : i32
        %dma_start3A_98 = arith.constant 0 : i32
        %dma_start3A_99 = tpu.memref_slice %arg14[%dma_start3A_97, %dma_start3A_98] : memref<10240x144xf32, #tpu.memory_space<vmem_shared>> -> memref<10240x144xf32, #tpu.memory_space<vmem_shared>>
        tpu.enqueue_indirect_dma source(%arg7 : memref<80x144xf32, #tpu.memory_space<vmem>>) target(%dma_start3A_99 : memref<10240x144xf32, #tpu.memory_space<vmem_shared>>) offsets(%arg6 : memref<80xi32, #tpu.memory_space<vmem>>) semaphore(%run_scoped3A : memref<!tpu.dma_semaphore, #tpu.memory_space<semaphore_mem>>) {add = true}
        %dma_wait3A_100 = arith.constant 0 : i32
        %dma_wait3A_101 = arith.constant 0 : i32
        %dma_wait3A_102 = tpu.memref_slice %arg14[%dma_wait3A_100, %dma_wait3A_101] : memref<10240x144xf32, #tpu.memory_space<vmem_shared>> -> memref<10240x144xf32, #tpu.memory_space<vmem_shared>>
        tpu.wait_indirect_dma semaphore(%run_scoped3A : memref<!tpu.dma_semaphore, #tpu.memory_space<semaphore_mem>>) src(%arg7 : memref<80x144xf32, #tpu.memory_space<vmem>>) dst(%dma_wait3A_102 : memref<10240x144xf32, #tpu.memory_space<vmem_shared>>)
        tpu.yield
      }) : () -> ()
      %add3A_65 = arith.constant 2 : i32
      %add3A_66 = arith.addi %mul3A_54, %add3A_65 : i32
      %mul3A_67 = arith.constant 80 : i32
      %mul3A_68 = arith.muli %add3A_66, %mul3A_67 : i32
      %add3A_69 = arith.addi %mul3A_5, %mul3A_68 : i32
      %dma_start3A_70 = tpu.memref_slice %arg3[%add3A_69] : memref<320000xi32, #tpu.memory_space<hbm>> -> memref<80xi32, #tpu.memory_space<hbm>>
      %dma_start3A_71 = tpu.memref_slice %arg3[%add3A_69] : memref<320000xi32, #tpu.memory_space<hbm>> -> memref<80xi32, #tpu.memory_space<hbm>>
      tpu.enqueue_dma source(%dma_start3A_71 : memref<80xi32, #tpu.memory_space<hbm>>) target(%arg6 : memref<80xi32, #tpu.memory_space<vmem>>) target_semaphore(%arg10 : memref<!tpu.dma_semaphore, #tpu.memory_space<semaphore_mem>>)
      %dma_start3A_72 = arith.constant 0 : i32
      %dma_start3A_73 = tpu.memref_slice %arg2[%add3A_69, %dma_start3A_72] : memref<320000x144xf32, #tpu.memory_space<hbm>> -> memref<80x144xf32, #tpu.memory_space<hbm>>
      %dma_start3A_74 = arith.constant 0 : i32
      %dma_start3A_75 = tpu.memref_slice %arg2[%add3A_69, %dma_start3A_74] : memref<320000x144xf32, #tpu.memory_space<hbm>> -> memref<80x144xf32, #tpu.memory_space<hbm>>
      tpu.enqueue_dma source(%dma_start3A_75 : memref<80x144xf32, #tpu.memory_space<hbm>>) target(%arg7 : memref<80x144xf32, #tpu.memory_space<vmem>>) target_semaphore(%arg11 : memref<!tpu.dma_semaphore, #tpu.memory_space<semaphore_mem>>)
      %dma_wait3A_76 = arith.constant 0 : i32
      %dma_wait3A_77 = tpu.memref_slice %arg3[%dma_wait3A_76] : memref<320000xi32, #tpu.memory_space<hbm>> -> memref<80xi32, #tpu.memory_space<hbm>>
      %dma_wait3A_78 = arith.constant 0 : i32
      %dma_wait3A_79 = tpu.memref_slice %arg3[%dma_wait3A_78] : memref<320000xi32, #tpu.memory_space<hbm>> -> memref<80xi32, #tpu.memory_space<hbm>>
      tpu.wait_dma2 semaphore(%arg12 : memref<!tpu.dma_semaphore, #tpu.memory_space<semaphore_mem>>) src(%dma_wait3A_79 : memref<80xi32, #tpu.memory_space<hbm>>) dst(%arg8 : memref<80xi32, #tpu.memory_space<vmem>>)
      %dma_wait3A_80 = arith.constant 0 : i32
      %dma_wait3A_81 = arith.constant 0 : i32
      %dma_wait3A_82 = tpu.memref_slice %arg2[%dma_wait3A_80, %dma_wait3A_81] : memref<320000x144xf32, #tpu.memory_space<hbm>> -> memref<80x144xf32, #tpu.memory_space<hbm>>
      %dma_wait3A_83 = arith.constant 0 : i32
      %dma_wait3A_84 = arith.constant 0 : i32
      %dma_wait3A_85 = tpu.memref_slice %arg2[%dma_wait3A_83, %dma_wait3A_84] : memref<320000x144xf32, #tpu.memory_space<hbm>> -> memref<80x144xf32, #tpu.memory_space<hbm>>
      tpu.wait_dma2 semaphore(%arg13 : memref<!tpu.dma_semaphore, #tpu.memory_space<semaphore_mem>>) src(%dma_wait3A_85 : memref<80x144xf32, #tpu.memory_space<hbm>>) dst(%arg9 : memref<80x144xf32, #tpu.memory_space<vmem>>)
      "tpu.region"() ({
        %run_scoped3A = tpu.sem_alloc : memref<!tpu.dma_semaphore, #tpu.memory_space<semaphore_mem>>
        %dma_start3A_97 = arith.constant 0 : i32
        %dma_start3A_98 = arith.constant 0 : i32
        %dma_start3A_99 = tpu.memref_slice %arg14[%dma_start3A_97, %dma_start3A_98] : memref<10240x144xf32, #tpu.memory_space<vmem_shared>> -> memref<10240x144xf32, #tpu.memory_space<vmem_shared>>
        tpu.enqueue_indirect_dma source(%arg9 : memref<80x144xf32, #tpu.memory_space<vmem>>) target(%dma_start3A_99 : memref<10240x144xf32, #tpu.memory_space<vmem_shared>>) offsets(%arg8 : memref<80xi32, #tpu.memory_space<vmem>>) semaphore(%run_scoped3A : memref<!tpu.dma_semaphore, #tpu.memory_space<semaphore_mem>>) {add = true}
        %dma_wait3A_100 = arith.constant 0 : i32
        %dma_wait3A_101 = arith.constant 0 : i32
        %dma_wait3A_102 = tpu.memref_slice %arg14[%dma_wait3A_100, %dma_wait3A_101] : memref<10240x144xf32, #tpu.memory_space<vmem_shared>> -> memref<10240x144xf32, #tpu.memory_space<vmem_shared>>
        tpu.wait_indirect_dma semaphore(%run_scoped3A : memref<!tpu.dma_semaphore, #tpu.memory_space<semaphore_mem>>) src(%arg9 : memref<80x144xf32, #tpu.memory_space<vmem>>) dst(%dma_wait3A_102 : memref<10240x144xf32, #tpu.memory_space<vmem_shared>>)
        tpu.yield
      }) : () -> ()
      %add3A_86 = arith.constant 3 : i32
      %add3A_87 = arith.addi %mul3A_54, %add3A_86 : i32
      %mul3A_88 = arith.constant 80 : i32
      %mul3A_89 = arith.muli %add3A_87, %mul3A_88 : i32
      %add3A_90 = arith.addi %mul3A_5, %mul3A_89 : i32
      %dma_start3A_91 = tpu.memref_slice %arg3[%add3A_90] : memref<320000xi32, #tpu.memory_space<hbm>> -> memref<80xi32, #tpu.memory_space<hbm>>
      %dma_start3A_92 = tpu.memref_slice %arg3[%add3A_90] : memref<320000xi32, #tpu.memory_space<hbm>> -> memref<80xi32, #tpu.memory_space<hbm>>
      tpu.enqueue_dma source(%dma_start3A_92 : memref<80xi32, #tpu.memory_space<hbm>>) target(%arg8 : memref<80xi32, #tpu.memory_space<vmem>>) target_semaphore(%arg12 : memref<!tpu.dma_semaphore, #tpu.memory_space<semaphore_mem>>)
      %dma_start3A_93 = arith.constant 0 : i32
      %dma_start3A_94 = tpu.memref_slice %arg2[%add3A_90, %dma_start3A_93] : memref<320000x144xf32, #tpu.memory_space<hbm>> -> memref<80x144xf32, #tpu.memory_space<hbm>>
      %dma_start3A_95 = arith.constant 0 : i32
      %dma_start3A_96 = tpu.memref_slice %arg2[%add3A_90, %dma_start3A_95] : memref<320000x144xf32, #tpu.memory_space<hbm>> -> memref<80x144xf32, #tpu.memory_space<hbm>>
      tpu.enqueue_dma source(%dma_start3A_96 : memref<80x144xf32, #tpu.memory_space<hbm>>) target(%arg9 : memref<80x144xf32, #tpu.memory_space<vmem>>) target_semaphore(%arg13 : memref<!tpu.dma_semaphore, #tpu.memory_space<semaphore_mem>>)
    }
    %scan3A_25 = arith.constant 124 : i32
    %dma_wait3A = arith.constant 0 : i32
    %dma_wait3A_26 = tpu.memref_slice %arg3[%dma_wait3A] : memref<320000xi32, #tpu.memory_space<hbm>> -> memref<80xi32, #tpu.memory_space<hbm>>
    %dma_wait3A_27 = arith.constant 0 : i32
    %dma_wait3A_28 = tpu.memref_slice %arg3[%dma_wait3A_27] : memref<320000xi32, #tpu.memory_space<hbm>> -> memref<80xi32, #tpu.memory_space<hbm>>
    tpu.wait_dma2 semaphore(%arg10 : memref<!tpu.dma_semaphore, #tpu.memory_space<semaphore_mem>>) src(%dma_wait3A_28 : memref<80xi32, #tpu.memory_space<hbm>>) dst(%arg6 : memref<80xi32, #tpu.memory_space<vmem>>)
    %dma_wait3A_29 = arith.constant 0 : i32
    %dma_wait3A_30 = arith.constant 0 : i32
    %dma_wait3A_31 = tpu.memref_slice %arg2[%dma_wait3A_29, %dma_wait3A_30] : memref<320000x144xf32, #tpu.memory_space<hbm>> -> memref<80x144xf32, #tpu.memory_space<hbm>>
    %dma_wait3A_32 = arith.constant 0 : i32
    %dma_wait3A_33 = arith.constant 0 : i32
    %dma_wait3A_34 = tpu.memref_slice %arg2[%dma_wait3A_32, %dma_wait3A_33] : memref<320000x144xf32, #tpu.memory_space<hbm>> -> memref<80x144xf32, #tpu.memory_space<hbm>>
    tpu.wait_dma2 semaphore(%arg11 : memref<!tpu.dma_semaphore, #tpu.memory_space<semaphore_mem>>) src(%dma_wait3A_34 : memref<80x144xf32, #tpu.memory_space<hbm>>) dst(%arg7 : memref<80x144xf32, #tpu.memory_space<vmem>>)
    "tpu.region"() ({
      %run_scoped3A = tpu.sem_alloc : memref<!tpu.dma_semaphore, #tpu.memory_space<semaphore_mem>>
      %dma_start3A_52 = arith.constant 0 : i32
      %dma_start3A_53 = arith.constant 0 : i32
      %dma_start3A_54 = tpu.memref_slice %arg14[%dma_start3A_52, %dma_start3A_53] : memref<10240x144xf32, #tpu.memory_space<vmem_shared>> -> memref<10240x144xf32, #tpu.memory_space<vmem_shared>>
      tpu.enqueue_indirect_dma source(%arg7 : memref<80x144xf32, #tpu.memory_space<vmem>>) target(%dma_start3A_54 : memref<10240x144xf32, #tpu.memory_space<vmem_shared>>) offsets(%arg6 : memref<80xi32, #tpu.memory_space<vmem>>) semaphore(%run_scoped3A : memref<!tpu.dma_semaphore, #tpu.memory_space<semaphore_mem>>) {add = true}
      %dma_wait3A_55 = arith.constant 0 : i32
      %dma_wait3A_56 = arith.constant 0 : i32
      %dma_wait3A_57 = tpu.memref_slice %arg14[%dma_wait3A_55, %dma_wait3A_56] : memref<10240x144xf32, #tpu.memory_space<vmem_shared>> -> memref<10240x144xf32, #tpu.memory_space<vmem_shared>>
      tpu.wait_indirect_dma semaphore(%run_scoped3A : memref<!tpu.dma_semaphore, #tpu.memory_space<semaphore_mem>>) src(%arg7 : memref<80x144xf32, #tpu.memory_space<vmem>>) dst(%dma_wait3A_57 : memref<10240x144xf32, #tpu.memory_space<vmem_shared>>)
      tpu.yield
    }) : () -> ()
    %dma_wait3A_35 = arith.constant 0 : i32
    %dma_wait3A_36 = tpu.memref_slice %arg3[%dma_wait3A_35] : memref<320000xi32, #tpu.memory_space<hbm>> -> memref<80xi32, #tpu.memory_space<hbm>>
    %dma_wait3A_37 = arith.constant 0 : i32
    %dma_wait3A_38 = tpu.memref_slice %arg3[%dma_wait3A_37] : memref<320000xi32, #tpu.memory_space<hbm>> -> memref<80xi32, #tpu.memory_space<hbm>>
    tpu.wait_dma2 semaphore(%arg12 : memref<!tpu.dma_semaphore, #tpu.memory_space<semaphore_mem>>) src(%dma_wait3A_38 : memref<80xi32, #tpu.memory_space<hbm>>) dst(%arg8 : memref<80xi32, #tpu.memory_space<vmem>>)
    %dma_wait3A_39 = arith.constant 0 : i32
    %dma_wait3A_40 = arith.constant 0 : i32
    %dma_wait3A_41 = tpu.memref_slice %arg2[%dma_wait3A_39, %dma_wait3A_40] : memref<320000x144xf32, #tpu.memory_space<hbm>> -> memref<80x144xf32, #tpu.memory_space<hbm>>
    %dma_wait3A_42 = arith.constant 0 : i32
    %dma_wait3A_43 = arith.constant 0 : i32
    %dma_wait3A_44 = tpu.memref_slice %arg2[%dma_wait3A_42, %dma_wait3A_43] : memref<320000x144xf32, #tpu.memory_space<hbm>> -> memref<80x144xf32, #tpu.memory_space<hbm>>
    tpu.wait_dma2 semaphore(%arg13 : memref<!tpu.dma_semaphore, #tpu.memory_space<semaphore_mem>>) src(%dma_wait3A_44 : memref<80x144xf32, #tpu.memory_space<hbm>>) dst(%arg9 : memref<80x144xf32, #tpu.memory_space<vmem>>)
    "tpu.region"() ({
      %run_scoped3A = tpu.sem_alloc : memref<!tpu.dma_semaphore, #tpu.memory_space<semaphore_mem>>
      %dma_start3A_52 = arith.constant 0 : i32
      %dma_start3A_53 = arith.constant 0 : i32
      %dma_start3A_54 = tpu.memref_slice %arg14[%dma_start3A_52, %dma_start3A_53] : memref<10240x144xf32, #tpu.memory_space<vmem_shared>> -> memref<10240x144xf32, #tpu.memory_space<vmem_shared>>
      tpu.enqueue_indirect_dma source(%arg9 : memref<80x144xf32, #tpu.memory_space<vmem>>) target(%dma_start3A_54 : memref<10240x144xf32, #tpu.memory_space<vmem_shared>>) offsets(%arg8 : memref<80xi32, #tpu.memory_space<vmem>>) semaphore(%run_scoped3A : memref<!tpu.dma_semaphore, #tpu.memory_space<semaphore_mem>>) {add = true}
      %dma_wait3A_55 = arith.constant 0 : i32
      %dma_wait3A_56 = arith.constant 0 : i32
      %dma_wait3A_57 = tpu.memref_slice %arg14[%dma_wait3A_55, %dma_wait3A_56] : memref<10240x144xf32, #tpu.memory_space<vmem_shared>> -> memref<10240x144xf32, #tpu.memory_space<vmem_shared>>
      tpu.wait_indirect_dma semaphore(%run_scoped3A : memref<!tpu.dma_semaphore, #tpu.memory_space<semaphore_mem>>) src(%arg9 : memref<80x144xf32, #tpu.memory_space<vmem>>) dst(%dma_wait3A_57 : memref<10240x144xf32, #tpu.memory_space<vmem_shared>>)
      tpu.yield
    }) : () -> ()
    %barrier3A_45 = arith.constant 0 : index
    tpu.barrier barrier_id(%barrier3A_45)
    %scan3A_46 = arith.constant 0 : i32
    %scan3A_47 = arith.constant 0 : i32
    %scan3A_48 = arith.constant 8 : i32
    %scan3A_49 = arith.addi %scan3A_47, %scan3A_48 : i32
    %scan3A_50 = arith.constant 1 : i32
    scf.for %scan3A_52 = %scan3A_47 to %scan3A_49 step %scan3A_50  : i32 {
      %mul3A_53 = arith.constant 640 : i32
      %mul3A_54 = arith.muli %arg1, %mul3A_53 : i32
      %mul3A_55 = arith.constant 80 : i32
      %mul3A_56 = arith.muli %scan3A_52, %mul3A_55 : i32
      %add3A_57 = arith.addi %mul3A_54, %mul3A_56 : i32
      "tpu.region"() ({
        %run_scoped3A = tpu.sem_alloc : memref<!tpu.dma_semaphore, #tpu.memory_space<semaphore_mem>>
        %dma_start3A_63 = arith.constant 0 : i32
        %dma_start3A_64 = arith.constant 0 : i32
        %dma_start3A_65 = tpu.memref_slice %arg7[%dma_start3A_63, %dma_start3A_64] : memref<80x144xf32, #tpu.memory_space<vmem>> -> memref<80x144xf32, #tpu.memory_space<vmem>>
        %dma_start3A_66 = arith.constant 0 : i32
        %dma_start3A_67 = tpu.memref_slice %arg14[%add3A_57, %dma_start3A_66] : memref<10240x144xf32, #tpu.memory_space<vmem_shared>> -> memref<80x144xf32, #tpu.memory_space<vmem_shared>>
        %dma_start3A_68 = arith.constant 0 : i32
        %dma_start3A_69 = arith.constant 0 : i32
        %dma_start3A_70 = tpu.memref_slice %arg7[%dma_start3A_68, %dma_start3A_69] : memref<80x144xf32, #tpu.memory_space<vmem>> -> memref<80x144xf32, #tpu.memory_space<vmem>>
        %dma_start3A_71 = arith.constant 0 : i32
        %dma_start3A_72 = tpu.memref_slice %arg14[%add3A_57, %dma_start3A_71] : memref<10240x144xf32, #tpu.memory_space<vmem_shared>> -> memref<80x144xf32, #tpu.memory_space<vmem_shared>>
        tpu.enqueue_dma source(%dma_start3A_72 : memref<80x144xf32, #tpu.memory_space<vmem_shared>>) target(%dma_start3A_70 : memref<80x144xf32, #tpu.memory_space<vmem>>) target_semaphore(%run_scoped3A : memref<!tpu.dma_semaphore, #tpu.memory_space<semaphore_mem>>)
        %dma_wait3A_73 = arith.constant 0 : i32
        %dma_wait3A_74 = arith.constant 0 : i32
        %dma_wait3A_75 = tpu.memref_slice %arg7[%dma_wait3A_73, %dma_wait3A_74] : memref<80x144xf32, #tpu.memory_space<vmem>> -> memref<80x144xf32, #tpu.memory_space<vmem>>
        %dma_wait3A_76 = arith.constant 0 : i32
        %dma_wait3A_77 = tpu.memref_slice %arg14[%add3A_57, %dma_wait3A_76] : memref<10240x144xf32, #tpu.memory_space<vmem_shared>> -> memref<80x144xf32, #tpu.memory_space<vmem_shared>>
        %dma_wait3A_78 = arith.constant 0 : i32
        %dma_wait3A_79 = arith.constant 0 : i32
        %dma_wait3A_80 = tpu.memref_slice %arg7[%dma_wait3A_78, %dma_wait3A_79] : memref<80x144xf32, #tpu.memory_space<vmem>> -> memref<80x144xf32, #tpu.memory_space<vmem>>
        %dma_wait3A_81 = arith.constant 0 : i32
        %dma_wait3A_82 = tpu.memref_slice %arg14[%add3A_57, %dma_wait3A_81] : memref<10240x144xf32, #tpu.memory_space<vmem_shared>> -> memref<80x144xf32, #tpu.memory_space<vmem_shared>>
        tpu.wait_dma2 semaphore(%run_scoped3A : memref<!tpu.dma_semaphore, #tpu.memory_space<semaphore_mem>>) src(%dma_wait3A_82 : memref<80x144xf32, #tpu.memory_space<vmem_shared>>) dst(%dma_wait3A_80 : memref<80x144xf32, #tpu.memory_space<vmem>>)
        tpu.yield
      }) : () -> ()
      %mul3A_58 = arith.constant 640 : i32
      %mul3A_59 = arith.muli %arg1, %mul3A_58 : i32
      %mul3A_60 = arith.constant 80 : i32
      %mul3A_61 = arith.muli %scan3A_52, %mul3A_60 : i32
      %add3A_62 = arith.addi %mul3A_59, %mul3A_61 : i32
      "tpu.region"() ({
        %run_scoped3A = tpu.sem_alloc : memref<!tpu.dma_semaphore, #tpu.memory_space<semaphore_mem>>
        %dma_start3A_63 = arith.constant 0 : i32
        %dma_start3A_64 = arith.constant 0 : i32
        %dma_start3A_65 = tpu.memref_slice %arg7[%dma_start3A_63, %dma_start3A_64] : memref<80x144xf32, #tpu.memory_space<vmem>> -> memref<80x144xf32, #tpu.memory_space<vmem>>
        %dma_start3A_66 = arith.constant 0 : i32
        %dma_start3A_67 = tpu.memref_slice %arg5[%add3A_62, %dma_start3A_66] : memref<10240x144xf32, #tpu.memory_space<hbm>> -> memref<80x144xf32, #tpu.memory_space<hbm>>
        %dma_start3A_68 = arith.constant 0 : i32
        %dma_start3A_69 = tpu.memref_slice %arg5[%add3A_62, %dma_start3A_68] : memref<10240x144xf32, #tpu.memory_space<hbm>> -> memref<80x144xf32, #tpu.memory_space<hbm>>
        %dma_start3A_70 = arith.constant 0 : i32
        %dma_start3A_71 = arith.constant 0 : i32
        %dma_start3A_72 = tpu.memref_slice %arg7[%dma_start3A_70, %dma_start3A_71] : memref<80x144xf32, #tpu.memory_space<vmem>> -> memref<80x144xf32, #tpu.memory_space<vmem>>
        tpu.enqueue_dma source(%dma_start3A_72 : memref<80x144xf32, #tpu.memory_space<vmem>>) target(%dma_start3A_69 : memref<80x144xf32, #tpu.memory_space<hbm>>) target_semaphore(%run_scoped3A : memref<!tpu.dma_semaphore, #tpu.memory_space<semaphore_mem>>)
        %dma_wait3A_73 = arith.constant 0 : i32
        %dma_wait3A_74 = arith.constant 0 : i32
        %dma_wait3A_75 = tpu.memref_slice %arg7[%dma_wait3A_73, %dma_wait3A_74] : memref<80x144xf32, #tpu.memory_space<vmem>> -> memref<80x144xf32, #tpu.memory_space<vmem>>
        %dma_wait3A_76 = arith.constant 0 : i32
        %dma_wait3A_77 = tpu.memref_slice %arg5[%add3A_62, %dma_wait3A_76] : memref<10240x144xf32, #tpu.memory_space<hbm>> -> memref<80x144xf32, #tpu.memory_space<hbm>>
        %dma_wait3A_78 = arith.constant 0 : i32
        %dma_wait3A_79 = tpu.memref_slice %arg5[%add3A_62, %dma_wait3A_78] : memref<10240x144xf32, #tpu.memory_space<hbm>> -> memref<80x144xf32, #tpu.memory_space<hbm>>
        %dma_wait3A_80 = arith.constant 0 : i32
        %dma_wait3A_81 = arith.constant 0 : i32
        %dma_wait3A_82 = tpu.memref_slice %arg7[%dma_wait3A_80, %dma_wait3A_81] : memref<80x144xf32, #tpu.memory_space<vmem>> -> memref<80x144xf32, #tpu.memory_space<vmem>>
        tpu.wait_dma2 semaphore(%run_scoped3A : memref<!tpu.dma_semaphore, #tpu.memory_space<semaphore_mem>>) src(%dma_wait3A_82 : memref<80x144xf32, #tpu.memory_space<vmem>>) dst(%dma_wait3A_79 : memref<80x144xf32, #tpu.memory_space<hbm>>)
        tpu.yield
      }) : () -> ()
    }
    %scan3A_51 = arith.constant 8 : i32
    return
  }
}

module attributes {stable_mosaic.version = 14 : i64} {
  func.func @_pre_body(%arg0: i32, %arg1: memref<1000x128xf32, #tpu.memory_space<vmem>>, %arg2: memref<128x192xf32, #tpu.memory_space<vmem>>, %arg3: memref<128x192xf32, #tpu.memory_space<vmem>>, %arg4: memref<1000x128xf32, #tpu.memory_space<vmem>>, %arg5: memref<1000x64xf32, #tpu.memory_space<vmem>>) attributes {dimension_semantics = [#tpu.dimension_semantics<arbitrary>], iteration_bounds = array<i64: 10>, scalar_prefetch = 0 : i64, scratch_operands = 0 : i64, tpu.core_type = #tpu.core_type<tc>, window_params = [{transform_indices = @transform_0, window_bounds = array<i64: 1000, 128>}, {pipeline_mode = #tpu.pipeline_mode<synchronous>, transform_indices = @transform_1, window_bounds = array<i64: 128, 192>}, {pipeline_mode = #tpu.pipeline_mode<synchronous>, transform_indices = @transform_2, window_bounds = array<i64: 128, 192>}, {transform_indices = @transform_3, window_bounds = array<i64: 1000, 128>}, {transform_indices = @transform_4, window_bounds = array<i64: 1000, 64>}]} {
    %get3A = arith.constant 0 : index
    %get3A_0 = arith.constant 0 : index
    %get3A_1 = vector.load %arg1[%get3A, %get3A_0] : memref<1000x128xf32, #tpu.memory_space<vmem>>, vector<1000x128xf32>
    %get3A_2 = arith.constant 0 : index
    %get3A_3 = arith.constant 0 : index
    %get3A_4 = vector.load %arg2[%get3A_2, %get3A_3] : memref<128x192xf32, #tpu.memory_space<vmem>>, vector<128x192xf32>
    %dot_general3A = arith.constant dense<0.000000e+00> : vector<1000x192xf32>
    %dot_general3A_5 = tpu.matmul %get3A_1, %get3A_4, %dot_general3A {dimension_numbers = #tpu.dot_dimension_numbers<[1], [0], [0], [1], [0, 0, 1, 1], [], []>, transpose_lhs_hint = false} : vector<1000x128xf32>, vector<128x192xf32>, vector<1000x192xf32> -> vector<1000x192xf32>
    %get3A_6 = arith.constant 0 : index
    %get3A_7 = arith.constant 0 : index
    %get3A_8 = vector.load %arg3[%get3A_6, %get3A_7] : memref<128x192xf32, #tpu.memory_space<vmem>>, vector<128x192xf32>
    %dot_general3A_9 = arith.constant dense<0.000000e+00> : vector<1000x192xf32>
    %dot_general3A_10 = tpu.matmul %get3A_1, %get3A_8, %dot_general3A_9 {dimension_numbers = #tpu.dot_dimension_numbers<[1], [0], [0], [1], [0, 0, 1, 1], [], []>, transpose_lhs_hint = false} : vector<1000x128xf32>, vector<128x192xf32>, vector<1000x192xf32> -> vector<1000x192xf32>
    %bitcast_convert_type3A = tpu.bitcast %dot_general3A_5 : vector<1000x192xf32> -> vector<1000x192xi32>
    %bitcast_convert_type3A_11 = tpu.bitcast %dot_general3A_10 : vector<1000x192xf32> -> vector<1000x192xi32>
    %add3A = arith.constant 32768 : i32
    %add3A_12 = vector.broadcast %add3A : i32 to vector<1000x192xi32>
    %add3A_13 = arith.addi %bitcast_convert_type3A, %add3A_12 : vector<1000x192xi32>
    %shift_right_logical3A = arith.constant 16 : i32
    %shift_right_logical3A_14 = vector.broadcast %shift_right_logical3A : i32 to vector<1000x192xi32>
    %shift_right_logical3A_15 = arith.shrui %add3A_13, %shift_right_logical3A_14 : vector<1000x192xi32>
    %add3A_16 = arith.constant 32768 : i32
    %add3A_17 = vector.broadcast %add3A_16 : i32 to vector<1000x192xi32>
    %add3A_18 = arith.addi %bitcast_convert_type3A_11, %add3A_17 : vector<1000x192xi32>
    %and3A = arith.constant -65536 : i32
    %and3A_19 = vector.broadcast %and3A : i32 to vector<1000x192xi32>
    %and3A_20 = arith.andi %add3A_18, %and3A_19 : vector<1000x192xi32>
    %or3A = arith.ori %shift_right_logical3A_15, %and3A_20 : vector<1000x192xi32>
    %bitcast_convert_type3A_21 = tpu.bitcast %or3A : vector<1000x192xi32> -> vector<1000x192xf32>
    %slice3A = vector.extract_strided_slice %bitcast_convert_type3A_21 {offsets = [0, 0], sizes = [1000, 128], strides = [1, 1]} : vector<1000x192xf32> to vector<1000x128xf32>
    %swap3A = arith.constant 0 : index
    %swap3A_22 = arith.constant 0 : index
    %swap3A_23 = vector.load %arg4[%swap3A, %swap3A_22] : memref<1000x128xf32, #tpu.memory_space<vmem>>, vector<1000x128xf32>
    tpu.vector_store %arg4[%swap3A, %swap3A_22], %slice3A {strides = array<i32>} : memref<1000x128xf32, #tpu.memory_space<vmem>>, vector<1000x128xf32>,
    %slice3A_24 = vector.extract_strided_slice %bitcast_convert_type3A_21 {offsets = [0, 128], sizes = [1000, 64], strides = [1, 1]} : vector<1000x192xf32> to vector<1000x64xf32>
    %swap3A_25 = arith.constant 0 : index
    %swap3A_26 = arith.constant 0 : index
    %swap3A_27 = vector.load %arg5[%swap3A_25, %swap3A_26] : memref<1000x64xf32, #tpu.memory_space<vmem>>, vector<1000x64xf32>
    tpu.vector_store %arg5[%swap3A_25, %swap3A_26], %slice3A_24 {strides = array<i32>} : memref<1000x64xf32, #tpu.memory_space<vmem>>, vector<1000x64xf32>,
    return
  }
  func.func @transform_0(%arg0: i32) -> (i32, i32) {
    %c0_i32 = arith.constant 0 : i32
    %c0_i32_0 = arith.constant 0 : i32
    return %arg0, %c0_i32 : i32, i32
  }
  func.func @transform_1(%arg0: i32) -> (i32, i32) {
    %c0_i32 = arith.constant 0 : i32
    %c0_i32_0 = arith.constant 0 : i32
    %c0_i32_1 = arith.constant 0 : i32
    return %c0_i32, %c0_i32_0 : i32, i32
  }
  func.func @transform_2(%arg0: i32) -> (i32, i32) {
    %c0_i32 = arith.constant 0 : i32
    %c0_i32_0 = arith.constant 0 : i32
    %c0_i32_1 = arith.constant 0 : i32
    return %c0_i32, %c0_i32_0 : i32, i32
  }
  func.func @transform_3(%arg0: i32) -> (i32, i32) {
    %c0_i32 = arith.constant 0 : i32
    %c0_i32_0 = arith.constant 0 : i32
    return %arg0, %c0_i32 : i32, i32
  }
  func.func @transform_4(%arg0: i32) -> (i32, i32) {
    %c0_i32 = arith.constant 0 : i32
    %c0_i32_0 = arith.constant 0 : i32
    return %arg0, %c0_i32 : i32, i32
  }
}

module attributes {stable_mosaic.version = 14 : i64} {
  func.func @_edge_body(%arg0: i32, %arg1: memref<3200x128xf32, #tpu.memory_space<vmem>>, %arg2: memref<3200x64xf32, #tpu.memory_space<vmem>>, %arg3: memref<3200x16xf32, #tpu.memory_space<vmem>>, %arg4: memref<3200x1xf32, #tpu.memory_space<vmem>>, %arg5: memref<16x128xf32, #tpu.memory_space<vmem>>, %arg6: memref<1x128xf32, #tpu.memory_space<vmem>>, %arg7: memref<32x128xf32, #tpu.memory_space<vmem>>, %arg8: memref<128x128xf32, #tpu.memory_space<vmem>>, %arg9: memref<1x32xf32, #tpu.memory_space<vmem>>, %arg10: memref<1x32xf32, #tpu.memory_space<vmem>>, %arg11: memref<64x4xf32, #tpu.memory_space<vmem>>, %arg12: memref<4x128xf32, #tpu.memory_space<vmem>>, %arg13: memref<3200x144xf32, #tpu.memory_space<vmem>>) attributes {dimension_semantics = [#tpu.dimension_semantics<arbitrary>], iteration_bounds = array<i64: 100>, scalar_prefetch = 0 : i64, scratch_operands = 0 : i64, tpu.core_type = #tpu.core_type<tc>, window_params = [{transform_indices = @transform_0, window_bounds = array<i64: 3200, 128>}, {transform_indices = @transform_1, window_bounds = array<i64: 3200, 64>}, {transform_indices = @transform_2, window_bounds = array<i64: 3200, 16>}, {transform_indices = @transform_3, window_bounds = array<i64: 3200, 1>}, {pipeline_mode = #tpu.pipeline_mode<synchronous>, transform_indices = @transform_4, window_bounds = array<i64: 16, 128>}, {pipeline_mode = #tpu.pipeline_mode<synchronous>, transform_indices = @transform_5, window_bounds = array<i64: 1, 128>}, {pipeline_mode = #tpu.pipeline_mode<synchronous>, transform_indices = @transform_6, window_bounds = array<i64: 32, 128>}, {pipeline_mode = #tpu.pipeline_mode<synchronous>, transform_indices = @transform_7, window_bounds = array<i64: 128, 128>}, {pipeline_mode = #tpu.pipeline_mode<synchronous>, transform_indices = @transform_8, window_bounds = array<i64: 1, 32>}, {pipeline_mode = #tpu.pipeline_mode<synchronous>, transform_indices = @transform_9, window_bounds = array<i64: 1, 32>}, {pipeline_mode = #tpu.pipeline_mode<synchronous>, transform_indices = @transform_10, window_bounds = array<i64: 64, 4>}, {pipeline_mode = #tpu.pipeline_mode<synchronous>, transform_indices = @transform_11, window_bounds = array<i64: 4, 128>}, {transform_indices = @transform_12, window_bounds = array<i64: 3200, 144>}]} {
    %get3A = arith.constant 0 : index
    %get3A_0 = arith.constant 0 : index
    %get3A_1 = vector.load %arg1[%get3A, %get3A_0] : memref<3200x128xf32, #tpu.memory_space<vmem>>, vector<3200x128xf32>
    %bitcast_convert_type3A = tpu.bitcast %get3A_1 : vector<3200x128xf32> -> vector<3200x128xi32>
    %shift_left3A = arith.constant 16 : i32
    %shift_left3A_2 = vector.broadcast %shift_left3A : i32 to vector<3200x128xi32>
    %shift_left3A_3 = arith.shli %bitcast_convert_type3A, %shift_left3A_2 : vector<3200x128xi32>
    %bitcast_convert_type3A_4 = tpu.bitcast %shift_left3A_3 : vector<3200x128xi32> -> vector<3200x128xf32>
    %and3A = arith.constant -65536 : i32
    %and3A_5 = vector.broadcast %and3A : i32 to vector<3200x128xi32>
    %and3A_6 = arith.andi %bitcast_convert_type3A, %and3A_5 : vector<3200x128xi32>
    %bitcast_convert_type3A_7 = tpu.bitcast %and3A_6 : vector<3200x128xi32> -> vector<3200x128xf32>
    %get3A_8 = arith.constant 0 : index
    %get3A_9 = arith.constant 0 : index
    %get3A_10 = vector.load %arg2[%get3A_8, %get3A_9] : memref<3200x64xf32, #tpu.memory_space<vmem>>, vector<3200x64xf32>
    %bitcast_convert_type3A_11 = tpu.bitcast %get3A_10 : vector<3200x64xf32> -> vector<3200x64xi32>
    %shift_left3A_12 = arith.constant 16 : i32
    %shift_left3A_13 = vector.broadcast %shift_left3A_12 : i32 to vector<3200x64xi32>
    %shift_left3A_14 = arith.shli %bitcast_convert_type3A_11, %shift_left3A_13 : vector<3200x64xi32>
    %bitcast_convert_type3A_15 = tpu.bitcast %shift_left3A_14 : vector<3200x64xi32> -> vector<3200x64xf32>
    %and3A_16 = arith.constant -65536 : i32
    %and3A_17 = vector.broadcast %and3A_16 : i32 to vector<3200x64xi32>
    %and3A_18 = arith.andi %bitcast_convert_type3A_11, %and3A_17 : vector<3200x64xi32>
    %bitcast_convert_type3A_19 = tpu.bitcast %and3A_18 : vector<3200x64xi32> -> vector<3200x64xf32>
    %get3A_20 = arith.constant 0 : index
    %get3A_21 = arith.constant 0 : index
    %get3A_22 = vector.load %arg3[%get3A_20, %get3A_21] : memref<3200x16xf32, #tpu.memory_space<vmem>>, vector<3200x16xf32>
    %get3A_23 = arith.constant 0 : index
    %get3A_24 = arith.constant 0 : index
    %get3A_25 = vector.load %arg5[%get3A_23, %get3A_24] : memref<16x128xf32, #tpu.memory_space<vmem>>, vector<16x128xf32>
    %dot_general3A = arith.constant dense<0.000000e+00> : vector<3200x128xf32>
    %dot_general3A_26 = tpu.matmul %get3A_22, %get3A_25, %dot_general3A {dimension_numbers = #tpu.dot_dimension_numbers<[1], [0], [0], [1], [0, 0, 1, 1], [], []>, transpose_lhs_hint = false} : vector<3200x16xf32>, vector<16x128xf32>, vector<3200x128xf32> -> vector<3200x128xf32>
    %add3A = arith.addf %bitcast_convert_type3A_4, %dot_general3A_26 : vector<3200x128xf32>
    %get3A_27 = arith.constant 0 : index
    %get3A_28 = arith.constant 0 : index
    %get3A_29 = vector.load %arg6[%get3A_27, %get3A_28] : memref<1x128xf32, #tpu.memory_space<vmem>>, vector<1x128xf32>
    %add3A_30 = vector.broadcast %get3A_29 : vector<1x128xf32> to vector<3200x128xf32>
    %add3A_31 = arith.addf %add3A, %add3A_30 : vector<3200x128xf32>
    %neg3A = arith.constant 0.000000e+00 : f32
    %neg3A_32 = vector.broadcast %neg3A : f32 to vector<3200x128xf32>
    %neg3A_33 = arith.subf %neg3A_32, %add3A_31 : vector<3200x128xf32>
    %exp3A = math.exp %neg3A_33 : vector<3200x128xf32>
    %add3A_34 = arith.constant 1.000000e+00 : f32
    %add3A_35 = vector.broadcast %add3A_34 : f32 to vector<3200x128xf32>
    %add3A_36 = arith.addf %add3A_35, %exp3A : vector<3200x128xf32>
    %div3A = arith.divf %add3A_31, %add3A_36 : vector<3200x128xf32>
    %get3A_37 = arith.constant 0 : index
    %get3A_38 = arith.constant 0 : index
    %get3A_39 = vector.load %arg8[%get3A_37, %get3A_38] : memref<128x128xf32, #tpu.memory_space<vmem>>, vector<128x128xf32>
    %dot_general3A_40 = arith.constant dense<0.000000e+00> : vector<3200x128xf32>
    %dot_general3A_41 = tpu.matmul %div3A, %get3A_39, %dot_general3A_40 {dimension_numbers = #tpu.dot_dimension_numbers<[1], [0], [0], [1], [0, 0, 1, 1], [], []>, transpose_lhs_hint = false} : vector<3200x128xf32>, vector<128x128xf32>, vector<3200x128xf32> -> vector<3200x128xf32>
    %get3A_42 = arith.constant 0 : index
    %get3A_43 = arith.constant 0 : index
    %get3A_44 = vector.load %arg4[%get3A_42, %get3A_43] : memref<3200x1xf32, #tpu.memory_space<vmem>>, vector<3200x1xf32>
    %get3A_45 = arith.constant 0 : index
    %get3A_46 = arith.constant 0 : index
    %get3A_47 = vector.load %arg9[%get3A_45, %get3A_46] : memref<1x32xf32, #tpu.memory_space<vmem>>, vector<1x32xf32>
    %dot_general3A_48 = arith.constant dense<0.000000e+00> : vector<3200x32xf32>
    %dot_general3A_49 = tpu.matmul %get3A_44, %get3A_47, %dot_general3A_48 {dimension_numbers = #tpu.dot_dimension_numbers<[1], [0], [0], [1], [0, 0, 1, 1], [], []>, transpose_lhs_hint = false} : vector<3200x1xf32>, vector<1x32xf32>, vector<3200x32xf32> -> vector<3200x32xf32>
    %get3A_50 = arith.constant 0 : index
    %get3A_51 = arith.constant 0 : index
    %get3A_52 = vector.load %arg10[%get3A_50, %get3A_51] : memref<1x32xf32, #tpu.memory_space<vmem>>, vector<1x32xf32>
    %add3A_53 = vector.broadcast %get3A_52 : vector<1x32xf32> to vector<3200x32xf32>
    %add3A_54 = arith.addf %dot_general3A_49, %add3A_53 : vector<3200x32xf32>
    %mul3A = arith.constant 0.159154937 : f32
    %mul3A_55 = vector.broadcast %mul3A : f32 to vector<3200x32xf32>
    %mul3A_56 = arith.mulf %add3A_54, %mul3A_55 : vector<3200x32xf32>
    %add3A_57 = arith.constant 5.000000e-01 : f32
    %add3A_58 = vector.broadcast %add3A_57 : f32 to vector<3200x32xf32>
    %add3A_59 = arith.addf %mul3A_56, %add3A_58 : vector<3200x32xf32>
    %floor3A = math.floor %add3A_59 : vector<3200x32xf32>
    %mul3A_60 = arith.constant 6.28318548 : f32
    %mul3A_61 = vector.broadcast %mul3A_60 : f32 to vector<3200x32xf32>
    %mul3A_62 = arith.mulf %floor3A, %mul3A_61 : vector<3200x32xf32>
    %sub3A = arith.subf %add3A_54, %mul3A_62 : vector<3200x32xf32>
    %mul3A_63 = arith.mulf %sub3A, %sub3A : vector<3200x32xf32>
    %mul3A_64 = arith.constant 1.74849868E-9 : f32
    %mul3A_65 = vector.broadcast %mul3A_64 : f32 to vector<3200x32xf32>
    %mul3A_66 = arith.mulf %mul3A_65, %mul3A_63 : vector<3200x32xf32>
    %add3A_67 = arith.constant -2.71501222E-7 : f32
    %add3A_68 = vector.broadcast %add3A_67 : f32 to vector<3200x32xf32>
    %add3A_69 = arith.addf %mul3A_66, %add3A_68 : vector<3200x32xf32>
    %mul3A_70 = arith.mulf %add3A_69, %mul3A_63 : vector<3200x32xf32>
    %add3A_71 = arith.constant 2.47777862E-5 : f32
    %add3A_72 = vector.broadcast %add3A_71 : f32 to vector<3200x32xf32>
    %add3A_73 = arith.addf %mul3A_70, %add3A_72 : vector<3200x32xf32>
    %mul3A_74 = arith.mulf %add3A_73, %mul3A_63 : vector<3200x32xf32>
    %add3A_75 = arith.constant -0.00138882082 : f32
    %add3A_76 = vector.broadcast %add3A_75 : f32 to vector<3200x32xf32>
    %add3A_77 = arith.addf %mul3A_74, %add3A_76 : vector<3200x32xf32>
    %mul3A_78 = arith.mulf %add3A_77, %mul3A_63 : vector<3200x32xf32>
    %add3A_79 = arith.constant 0.0416665822 : f32
    %add3A_80 = vector.broadcast %add3A_79 : f32 to vector<3200x32xf32>
    %add3A_81 = arith.addf %mul3A_78, %add3A_80 : vector<3200x32xf32>
    %mul3A_82 = arith.mulf %add3A_81, %mul3A_63 : vector<3200x32xf32>
    %add3A_83 = arith.constant -0.49999997 : f32
    %add3A_84 = vector.broadcast %add3A_83 : f32 to vector<3200x32xf32>
    %add3A_85 = arith.addf %mul3A_82, %add3A_84 : vector<3200x32xf32>
    %mul3A_86 = arith.mulf %add3A_85, %mul3A_63 : vector<3200x32xf32>
    %add3A_87 = arith.constant 1.000000e+00 : f32
    %add3A_88 = vector.broadcast %add3A_87 : f32 to vector<3200x32xf32>
    %add3A_89 = arith.addf %mul3A_86, %add3A_88 : vector<3200x32xf32>
    %get3A_90 = arith.constant 0 : index
    %get3A_91 = arith.constant 0 : index
    %get3A_92 = vector.load %arg7[%get3A_90, %get3A_91] : memref<32x128xf32, #tpu.memory_space<vmem>>, vector<32x128xf32>
    %dot_general3A_93 = arith.constant dense<0.000000e+00> : vector<3200x128xf32>
    %dot_general3A_94 = tpu.matmul %add3A_89, %get3A_92, %dot_general3A_93 {dimension_numbers = #tpu.dot_dimension_numbers<[1], [0], [0], [1], [0, 0, 1, 1], [], []>, transpose_lhs_hint = false} : vector<3200x32xf32>, vector<32x128xf32>, vector<3200x128xf32> -> vector<3200x128xf32>
    %add3A_95 = arith.addf %bitcast_convert_type3A_7, %dot_general3A_94 : vector<3200x128xf32>
    %slice3A = vector.extract_strided_slice %add3A_95 {offsets = [0, 0], sizes = [3200, 64], strides = [1, 1]} : vector<3200x128xf32> to vector<3200x64xf32>
    %mul3A_96 = arith.mulf %bitcast_convert_type3A_15, %slice3A : vector<3200x64xf32>
    %slice3A_97 = vector.extract_strided_slice %add3A_95 {offsets = [0, 64], sizes = [3200, 64], strides = [1, 1]} : vector<3200x128xf32> to vector<3200x64xf32>
    %mul3A_98 = arith.mulf %bitcast_convert_type3A_19, %slice3A_97 : vector<3200x64xf32>
    %add3A_99 = arith.addf %mul3A_96, %mul3A_98 : vector<3200x64xf32>
    %get3A_100 = arith.constant 0 : index
    %get3A_101 = arith.constant 0 : index
    %get3A_102 = vector.load %arg11[%get3A_100, %get3A_101] : memref<64x4xf32, #tpu.memory_space<vmem>>, vector<64x4xf32>
    %dot_general3A_103 = arith.constant dense<0.000000e+00> : vector<3200x4xf32>
    %dot_general3A_104 = tpu.matmul %add3A_99, %get3A_102, %dot_general3A_103 {dimension_numbers = #tpu.dot_dimension_numbers<[1], [0], [0], [1], [0, 0, 1, 1], [], []>, transpose_lhs_hint = false} : vector<3200x64xf32>, vector<64x4xf32>, vector<3200x4xf32> -> vector<3200x4xf32>
    %mul3A_105 = arith.constant 0.176776692 : f32
    %mul3A_106 = vector.broadcast %mul3A_105 : f32 to vector<3200x4xf32>
    %mul3A_107 = arith.mulf %dot_general3A_104, %mul3A_106 : vector<3200x4xf32>
    %exp3A_108 = math.exp %mul3A_107 : vector<3200x4xf32>
    %get3A_109 = arith.constant 0 : index
    %get3A_110 = arith.constant 0 : index
    %get3A_111 = vector.load %arg12[%get3A_109, %get3A_110] : memref<4x128xf32, #tpu.memory_space<vmem>>, vector<4x128xf32>
    %dot_general3A_112 = arith.constant dense<0.000000e+00> : vector<3200x128xf32>
    %dot_general3A_113 = tpu.matmul %exp3A_108, %get3A_111, %dot_general3A_112 {dimension_numbers = #tpu.dot_dimension_numbers<[1], [0], [0], [1], [0, 0, 1, 1], [], []>, transpose_lhs_hint = false} : vector<3200x4xf32>, vector<4x128xf32>, vector<3200x128xf32> -> vector<3200x128xf32>
    %mul3A_114 = arith.mulf %dot_general3A_41, %dot_general3A_113 : vector<3200x128xf32>
    %swap3A = arith.constant 0 : index
    %swap3A_115 = arith.constant 0 : index
    %swap3A_116 = vector.load %arg13[%swap3A, %swap3A_115] : memref<3200x144xf32, #tpu.memory_space<vmem>>, vector<3200x128xf32>
    tpu.vector_store %arg13[%swap3A, %swap3A_115], %mul3A_114 {strides = array<i32>} : memref<3200x144xf32, #tpu.memory_space<vmem>>, vector<3200x128xf32>,
    %swap3A_117 = arith.constant 0 : index
    %swap3A_118 = arith.constant 128 : index
    %swap3A_119 = vector.load %arg13[%swap3A_117, %swap3A_118] : memref<3200x144xf32, #tpu.memory_space<vmem>>, vector<3200x4xf32>
    tpu.vector_store %arg13[%swap3A_117, %swap3A_118], %exp3A_108 {strides = array<i32>} : memref<3200x144xf32, #tpu.memory_space<vmem>>, vector<3200x4xf32>,
    %broadcast_in_dim3A = arith.constant 0.000000e+00 : f32
    %broadcast_in_dim3A_120 = vector.broadcast %broadcast_in_dim3A : f32 to vector<3200x12xf32>
    %swap3A_121 = arith.constant 0 : index
    %swap3A_122 = arith.constant 132 : index
    %swap3A_123 = vector.load %arg13[%swap3A_121, %swap3A_122] : memref<3200x144xf32, #tpu.memory_space<vmem>>, vector<3200x12xf32>
    tpu.vector_store %arg13[%swap3A_121, %swap3A_122], %broadcast_in_dim3A_120 {strides = array<i32>} : memref<3200x144xf32, #tpu.memory_space<vmem>>, vector<3200x12xf32>,
    return
  }
  func.func @transform_0(%arg0: i32) -> (i32, i32) {
    %c0_i32 = arith.constant 0 : i32
    %c0_i32_0 = arith.constant 0 : i32
    return %arg0, %c0_i32 : i32, i32
  }
  func.func @transform_1(%arg0: i32) -> (i32, i32) {
    %c0_i32 = arith.constant 0 : i32
    %c0_i32_0 = arith.constant 0 : i32
    return %arg0, %c0_i32 : i32, i32
  }
  func.func @transform_2(%arg0: i32) -> (i32, i32) {
    %c0_i32 = arith.constant 0 : i32
    %c0_i32_0 = arith.constant 0 : i32
    return %arg0, %c0_i32 : i32, i32
  }
  func.func @transform_3(%arg0: i32) -> (i32, i32) {
    %c0_i32 = arith.constant 0 : i32
    %c0_i32_0 = arith.constant 0 : i32
    return %arg0, %c0_i32 : i32, i32
  }
  func.func @transform_4(%arg0: i32) -> (i32, i32) {
    %c0_i32 = arith.constant 0 : i32
    %c0_i32_0 = arith.constant 0 : i32
    %c0_i32_1 = arith.constant 0 : i32
    return %c0_i32, %c0_i32_0 : i32, i32
  }
  func.func @transform_5(%arg0: i32) -> (i32, i32) {
    %c0_i32 = arith.constant 0 : i32
    %c0_i32_0 = arith.constant 0 : i32
    %c0_i32_1 = arith.constant 0 : i32
    return %c0_i32, %c0_i32_0 : i32, i32
  }
  func.func @transform_6(%arg0: i32) -> (i32, i32) {
    %c0_i32 = arith.constant 0 : i32
    %c0_i32_0 = arith.constant 0 : i32
    %c0_i32_1 = arith.constant 0 : i32
    return %c0_i32, %c0_i32_0 : i32, i32
  }
  func.func @transform_7(%arg0: i32) -> (i32, i32) {
    %c0_i32 = arith.constant 0 : i32
    %c0_i32_0 = arith.constant 0 : i32
    %c0_i32_1 = arith.constant 0 : i32
    return %c0_i32, %c0_i32_0 : i32, i32
  }
  func.func @transform_8(%arg0: i32) -> (i32, i32) {
    %c0_i32 = arith.constant 0 : i32
    %c0_i32_0 = arith.constant 0 : i32
    %c0_i32_1 = arith.constant 0 : i32
    return %c0_i32, %c0_i32_0 : i32, i32
  }
  func.func @transform_9(%arg0: i32) -> (i32, i32) {
    %c0_i32 = arith.constant 0 : i32
    %c0_i32_0 = arith.constant 0 : i32
    %c0_i32_1 = arith.constant 0 : i32
    return %c0_i32, %c0_i32_0 : i32, i32
  }
  func.func @transform_10(%arg0: i32) -> (i32, i32) {
    %c0_i32 = arith.constant 0 : i32
    %c0_i32_0 = arith.constant 0 : i32
    %c0_i32_1 = arith.constant 0 : i32
    return %c0_i32, %c0_i32_0 : i32, i32
  }
  func.func @transform_11(%arg0: i32) -> (i32, i32) {
    %c0_i32 = arith.constant 0 : i32
    %c0_i32_0 = arith.constant 0 : i32
    %c0_i32_1 = arith.constant 0 : i32
    return %c0_i32, %c0_i32_0 : i32, i32
  }
  func.func @transform_12(%arg0: i32) -> (i32, i32) {
    %c0_i32 = arith.constant 0 : i32
    %c0_i32_0 = arith.constant 0 : i32
    return %arg0, %c0_i32 : i32, i32
  }
}

module attributes {stable_mosaic.version = 14 : i64} {
  func.func @_post_body(%arg0: i32, %arg1: memref<1000x128xf32, #tpu.memory_space<vmem>>, %arg2: memref<1000x144xf32, #tpu.memory_space<vmem>>, %arg3: memref<1000x144xf32, #tpu.memory_space<vmem>>, %arg4: memref<128x128xf32, #tpu.memory_space<vmem>>, %arg5: memref<288x256xf32, #tpu.memory_space<vmem>>, %arg6: memref<1x256xf32, #tpu.memory_space<vmem>>, %arg7: memref<256x256xf32, #tpu.memory_space<vmem>>, %arg8: memref<1x256xf32, #tpu.memory_space<vmem>>, %arg9: memref<256x128xf32, #tpu.memory_space<vmem>>, %arg10: memref<1x128xf32, #tpu.memory_space<vmem>>, %arg11: memref<1x1xf32, #tpu.memory_space<vmem>>, %arg12: memref<1x32xf32, #tpu.memory_space<vmem>>, %arg13: memref<1x32xf32, #tpu.memory_space<vmem>>, %arg14: memref<4x128xf32, #tpu.memory_space<vmem>>, %arg15: memref<1000x128xf32, #tpu.memory_space<vmem>>) attributes {dimension_semantics = [#tpu.dimension_semantics<arbitrary>], iteration_bounds = array<i64: 10>, scalar_prefetch = 0 : i64, scratch_operands = 0 : i64, tpu.core_type = #tpu.core_type<tc>, window_params = [{transform_indices = @transform_0, window_bounds = array<i64: 1000, 128>}, {transform_indices = @transform_1, window_bounds = array<i64: 1000, 144>}, {transform_indices = @transform_2, window_bounds = array<i64: 1000, 144>}, {pipeline_mode = #tpu.pipeline_mode<synchronous>, transform_indices = @transform_3, window_bounds = array<i64: 128, 128>}, {pipeline_mode = #tpu.pipeline_mode<synchronous>, transform_indices = @transform_4, window_bounds = array<i64: 288, 256>}, {pipeline_mode = #tpu.pipeline_mode<synchronous>, transform_indices = @transform_5, window_bounds = array<i64: 1, 256>}, {pipeline_mode = #tpu.pipeline_mode<synchronous>, transform_indices = @transform_6, window_bounds = array<i64: 256, 256>}, {pipeline_mode = #tpu.pipeline_mode<synchronous>, transform_indices = @transform_7, window_bounds = array<i64: 1, 256>}, {pipeline_mode = #tpu.pipeline_mode<synchronous>, transform_indices = @transform_8, window_bounds = array<i64: 256, 128>}, {pipeline_mode = #tpu.pipeline_mode<synchronous>, transform_indices = @transform_9, window_bounds = array<i64: 1, 128>}, {pipeline_mode = #tpu.pipeline_mode<synchronous>, transform_indices = @transform_10, window_bounds = array<i64: 1, 1>}, {pipeline_mode = #tpu.pipeline_mode<synchronous>, transform_indices = @transform_11, window_bounds = array<i64: 1, 32>}, {pipeline_mode = #tpu.pipeline_mode<synchronous>, transform_indices = @transform_12, window_bounds = array<i64: 1, 32>}, {pipeline_mode = #tpu.pipeline_mode<synchronous>, transform_indices = @transform_13, window_bounds = array<i64: 4, 128>}, {transform_indices = @transform_14, window_bounds = array<i64: 1000, 128>}]} {
    %get3A = arith.constant 0 : index
    %get3A_0 = arith.constant 0 : index
    %get3A_1 = vector.load %arg2[%get3A, %get3A_0] : memref<1000x144xf32, #tpu.memory_space<vmem>>, vector<1000x144xf32>
    %get3A_2 = arith.constant 0 : index
    %get3A_3 = arith.constant 0 : index
    %get3A_4 = vector.load %arg3[%get3A_2, %get3A_3] : memref<1000x144xf32, #tpu.memory_space<vmem>>, vector<1000x144xf32>
    %add3A = arith.addf %get3A_1, %get3A_4 : vector<1000x144xf32>
    %slice3A = vector.extract_strided_slice %add3A {offsets = [0, 128], sizes = [1000, 4], strides = [1, 1]} : vector<1000x144xf32> to vector<1000x4xf32>
    %add3A_5 = arith.constant 1.000000e-16 : f32
    %add3A_6 = vector.broadcast %add3A_5 : f32 to vector<1000x4xf32>
    %add3A_7 = arith.addf %slice3A, %add3A_6 : vector<1000x4xf32>
    %slice3A_8 = vector.extract_strided_slice %add3A {offsets = [0, 0], sizes = [1000, 128], strides = [1, 1]} : vector<1000x144xf32> to vector<1000x128xf32>
    %div3A = arith.constant 1.000000e+00 : f32
    %div3A_9 = vector.broadcast %div3A : f32 to vector<1000x4xf32>
    %div3A_10 = arith.divf %div3A_9, %add3A_7 : vector<1000x4xf32>
    %get3A_11 = arith.constant 0 : index
    %get3A_12 = arith.constant 0 : index
    %get3A_13 = vector.load %arg14[%get3A_11, %get3A_12] : memref<4x128xf32, #tpu.memory_space<vmem>>, vector<4x128xf32>
    %dot_general3A = arith.constant dense<0.000000e+00> : vector<1000x128xf32>
    %dot_general3A_14 = tpu.matmul %div3A_10, %get3A_13, %dot_general3A {dimension_numbers = #tpu.dot_dimension_numbers<[1], [0], [0], [1], [0, 0, 1, 1], [], []>, transpose_lhs_hint = false} : vector<1000x4xf32>, vector<4x128xf32>, vector<1000x128xf32> -> vector<1000x128xf32>
    %mul3A = arith.mulf %slice3A_8, %dot_general3A_14 : vector<1000x128xf32>
    %get3A_15 = arith.constant 0 : index
    %get3A_16 = arith.constant 0 : index
    %get3A_17 = vector.load %arg4[%get3A_15, %get3A_16] : memref<128x128xf32, #tpu.memory_space<vmem>>, vector<128x128xf32>
    %dot_general3A_18 = arith.constant dense<0.000000e+00> : vector<1000x128xf32>
    %dot_general3A_19 = tpu.matmul %mul3A, %get3A_17, %dot_general3A_18 {dimension_numbers = #tpu.dot_dimension_numbers<[1], [0], [0], [1], [0, 0, 1, 1], [], []>, transpose_lhs_hint = false} : vector<1000x128xf32>, vector<128x128xf32>, vector<1000x128xf32> -> vector<1000x128xf32>
    %get3A_20 = arith.constant 0 : index
    %get3A_21 = arith.constant 0 : index
    %get3A_22 = vector.load %arg11[%get3A_20, %get3A_21] : memref<1x1xf32, #tpu.memory_space<vmem>>, vector<1x1xf32>
    %get3A_23 = arith.constant 0 : index
    %get3A_24 = arith.constant 0 : index
    %get3A_25 = vector.load %arg12[%get3A_23, %get3A_24] : memref<1x32xf32, #tpu.memory_space<vmem>>, vector<1x32xf32>
    %mul3A_26 = vector.broadcast %get3A_22 : vector<1x1xf32> to vector<1x32xf32>
    %mul3A_27 = arith.mulf %mul3A_26, %get3A_25 : vector<1x32xf32>
    %get3A_28 = arith.constant 0 : index
    %get3A_29 = arith.constant 0 : index
    %get3A_30 = vector.load %arg13[%get3A_28, %get3A_29] : memref<1x32xf32, #tpu.memory_space<vmem>>, vector<1x32xf32>
    %add3A_31 = arith.addf %mul3A_27, %get3A_30 : vector<1x32xf32>
    %cos3A = math.cos %add3A_31 : vector<1x32xf32>
    %get3A_32 = arith.constant 0 : index
    %get3A_33 = arith.constant 0 : index
    %get3A_34 = vector.load %arg1[%get3A_32, %get3A_33] : memref<1000x128xf32, #tpu.memory_space<vmem>>, vector<1000x128xf32>
    %broadcast_in_dim3A = vector.shape_cast %cos3A : vector<1x32xf32> to vector<1x32xf32>
    %broadcast_in_dim3A_35 = vector.broadcast %broadcast_in_dim3A : vector<1x32xf32> to vector<1000x32xf32>
    %concatenate3A = tpu.concatenate %get3A_34, %dot_general3A_19, %broadcast_in_dim3A_35 in 1 : vector<1000x128xf32>, vector<1000x128xf32>, vector<1000x32xf32> -> vector<1000x288xf32>
    %get3A_36 = arith.constant 0 : index
    %get3A_37 = arith.constant 0 : index
    %get3A_38 = vector.load %arg5[%get3A_36, %get3A_37] : memref<288x256xf32, #tpu.memory_space<vmem>>, vector<288x256xf32>
    %dot_general3A_39 = arith.constant dense<0.000000e+00> : vector<1000x256xf32>
    %dot_general3A_40 = tpu.matmul %concatenate3A, %get3A_38, %dot_general3A_39 {dimension_numbers = #tpu.dot_dimension_numbers<[1], [0], [0], [1], [0, 0, 1, 1], [], []>, transpose_lhs_hint = false} : vector<1000x288xf32>, vector<288x256xf32>, vector<1000x256xf32> -> vector<1000x256xf32>
    %get3A_41 = arith.constant 0 : index
    %get3A_42 = arith.constant 0 : index
    %get3A_43 = vector.load %arg6[%get3A_41, %get3A_42] : memref<1x256xf32, #tpu.memory_space<vmem>>, vector<1x256xf32>
    %add3A_44 = vector.broadcast %get3A_43 : vector<1x256xf32> to vector<1000x256xf32>
    %add3A_45 = arith.addf %dot_general3A_40, %add3A_44 : vector<1000x256xf32>
    %neg3A = arith.constant 0.000000e+00 : f32
    %neg3A_46 = vector.broadcast %neg3A : f32 to vector<1000x256xf32>
    %neg3A_47 = arith.subf %neg3A_46, %add3A_45 : vector<1000x256xf32>
    %exp3A = math.exp %neg3A_47 : vector<1000x256xf32>
    %add3A_48 = arith.constant 1.000000e+00 : f32
    %add3A_49 = vector.broadcast %add3A_48 : f32 to vector<1000x256xf32>
    %add3A_50 = arith.addf %add3A_49, %exp3A : vector<1000x256xf32>
    %div3A_51 = arith.divf %add3A_45, %add3A_50 : vector<1000x256xf32>
    %get3A_52 = arith.constant 0 : index
    %get3A_53 = arith.constant 0 : index
    %get3A_54 = vector.load %arg7[%get3A_52, %get3A_53] : memref<256x256xf32, #tpu.memory_space<vmem>>, vector<256x256xf32>
    %dot_general3A_55 = arith.constant dense<0.000000e+00> : vector<1000x256xf32>
    %dot_general3A_56 = tpu.matmul %div3A_51, %get3A_54, %dot_general3A_55 {dimension_numbers = #tpu.dot_dimension_numbers<[1], [0], [0], [1], [0, 0, 1, 1], [], []>, transpose_lhs_hint = false} : vector<1000x256xf32>, vector<256x256xf32>, vector<1000x256xf32> -> vector<1000x256xf32>
    %get3A_57 = arith.constant 0 : index
    %get3A_58 = arith.constant 0 : index
    %get3A_59 = vector.load %arg8[%get3A_57, %get3A_58] : memref<1x256xf32, #tpu.memory_space<vmem>>, vector<1x256xf32>
    %add3A_60 = vector.broadcast %get3A_59 : vector<1x256xf32> to vector<1000x256xf32>
    %add3A_61 = arith.addf %dot_general3A_56, %add3A_60 : vector<1000x256xf32>
    %neg3A_62 = arith.constant 0.000000e+00 : f32
    %neg3A_63 = vector.broadcast %neg3A_62 : f32 to vector<1000x256xf32>
    %neg3A_64 = arith.subf %neg3A_63, %add3A_61 : vector<1000x256xf32>
    %exp3A_65 = math.exp %neg3A_64 : vector<1000x256xf32>
    %add3A_66 = arith.constant 1.000000e+00 : f32
    %add3A_67 = vector.broadcast %add3A_66 : f32 to vector<1000x256xf32>
    %add3A_68 = arith.addf %add3A_67, %exp3A_65 : vector<1000x256xf32>
    %div3A_69 = arith.divf %add3A_61, %add3A_68 : vector<1000x256xf32>
    %get3A_70 = arith.constant 0 : index
    %get3A_71 = arith.constant 0 : index
    %get3A_72 = vector.load %arg9[%get3A_70, %get3A_71] : memref<256x128xf32, #tpu.memory_space<vmem>>, vector<256x128xf32>
    %dot_general3A_73 = arith.constant dense<0.000000e+00> : vector<1000x128xf32>
    %dot_general3A_74 = tpu.matmul %div3A_69, %get3A_72, %dot_general3A_73 {dimension_numbers = #tpu.dot_dimension_numbers<[1], [0], [0], [1], [0, 0, 1, 1], [], []>, transpose_lhs_hint = false} : vector<1000x256xf32>, vector<256x128xf32>, vector<1000x128xf32> -> vector<1000x128xf32>
    %get3A_75 = arith.constant 0 : index
    %get3A_76 = arith.constant 0 : index
    %get3A_77 = vector.load %arg10[%get3A_75, %get3A_76] : memref<1x128xf32, #tpu.memory_space<vmem>>, vector<1x128xf32>
    %add3A_78 = vector.broadcast %get3A_77 : vector<1x128xf32> to vector<1000x128xf32>
    %add3A_79 = arith.addf %dot_general3A_74, %add3A_78 : vector<1000x128xf32>
    %swap3A = arith.constant 0 : index
    %swap3A_80 = arith.constant 0 : index
    %swap3A_81 = vector.load %arg15[%swap3A, %swap3A_80] : memref<1000x128xf32, #tpu.memory_space<vmem>>, vector<1000x128xf32>
    tpu.vector_store %arg15[%swap3A, %swap3A_80], %add3A_79 {strides = array<i32>} : memref<1000x128xf32, #tpu.memory_space<vmem>>, vector<1000x128xf32>,
    return
  }
  func.func @transform_0(%arg0: i32) -> (i32, i32) {
    %c0_i32 = arith.constant 0 : i32
    %c0_i32_0 = arith.constant 0 : i32
    return %arg0, %c0_i32 : i32, i32
  }
  func.func @transform_1(%arg0: i32) -> (i32, i32) {
    %c0_i32 = arith.constant 0 : i32
    %c0_i32_0 = arith.constant 0 : i32
    return %arg0, %c0_i32 : i32, i32
  }
  func.func @transform_2(%arg0: i32) -> (i32, i32) {
    %c0_i32 = arith.constant 0 : i32
    %c0_i32_0 = arith.constant 0 : i32
    return %arg0, %c0_i32 : i32, i32
  }
  func.func @transform_3(%arg0: i32) -> (i32, i32) {
    %c0_i32 = arith.constant 0 : i32
    %c0_i32_0 = arith.constant 0 : i32
    %c0_i32_1 = arith.constant 0 : i32
    return %c0_i32, %c0_i32_0 : i32, i32
  }
  func.func @transform_4(%arg0: i32) -> (i32, i32) {
    %c0_i32 = arith.constant 0 : i32
    %c0_i32_0 = arith.constant 0 : i32
    %c0_i32_1 = arith.constant 0 : i32
    return %c0_i32, %c0_i32_0 : i32, i32
  }
  func.func @transform_5(%arg0: i32) -> (i32, i32) {
    %c0_i32 = arith.constant 0 : i32
    %c0_i32_0 = arith.constant 0 : i32
    %c0_i32_1 = arith.constant 0 : i32
    return %c0_i32, %c0_i32_0 : i32, i32
  }
  func.func @transform_6(%arg0: i32) -> (i32, i32) {
    %c0_i32 = arith.constant 0 : i32
    %c0_i32_0 = arith.constant 0 : i32
    %c0_i32_1 = arith.constant 0 : i32
    return %c0_i32, %c0_i32_0 : i32, i32
  }
  func.func @transform_7(%arg0: i32) -> (i32, i32) {
    %c0_i32 = arith.constant 0 : i32
    %c0_i32_0 = arith.constant 0 : i32
    %c0_i32_1 = arith.constant 0 : i32
    return %c0_i32, %c0_i32_0 : i32, i32
  }
  func.func @transform_8(%arg0: i32) -> (i32, i32) {
    %c0_i32 = arith.constant 0 : i32
    %c0_i32_0 = arith.constant 0 : i32
    %c0_i32_1 = arith.constant 0 : i32
    return %c0_i32, %c0_i32_0 : i32, i32
  }
  func.func @transform_9(%arg0: i32) -> (i32, i32) {
    %c0_i32 = arith.constant 0 : i32
    %c0_i32_0 = arith.constant 0 : i32
    %c0_i32_1 = arith.constant 0 : i32
    return %c0_i32, %c0_i32_0 : i32, i32
  }
  func.func @transform_10(%arg0: i32) -> (i32, i32) {
    %c0_i32 = arith.constant 0 : i32
    %c0_i32_0 = arith.constant 0 : i32
    %c0_i32_1 = arith.constant 0 : i32
    return %c0_i32, %c0_i32_0 : i32, i32
  }
  func.func @transform_11(%arg0: i32) -> (i32, i32) {
    %c0_i32 = arith.constant 0 : i32
    %c0_i32_0 = arith.constant 0 : i32
    %c0_i32_1 = arith.constant 0 : i32
    return %c0_i32, %c0_i32_0 : i32, i32
  }
  func.func @transform_12(%arg0: i32) -> (i32, i32) {
    %c0_i32 = arith.constant 0 : i32
    %c0_i32_0 = arith.constant 0 : i32
    %c0_i32_1 = arith.constant 0 : i32
    return %c0_i32, %c0_i32_0 : i32, i32
  }
  func.func @transform_13(%arg0: i32) -> (i32, i32) {
    %c0_i32 = arith.constant 0 : i32
    %c0_i32_0 = arith.constant 0 : i32
    %c0_i32_1 = arith.constant 0 : i32
    return %c0_i32, %c0_i32_0 : i32, i32
  }
  func.func @transform_14(%arg0: i32) -> (i32, i32) {
    %c0_i32 = arith.constant 0 : i32
    %c0_i32_0 = arith.constant 0 : i32
    return %arg0, %c0_i32 : i32, i32
  }
}

</mosaic_0001>

<sc_bundles>
// kernel: kernel.10.cloned.1.call-start
scs
__scs_entry_jumppad:
0x0: {  	(pc) =	sbr.rel $0x88, $3  }
0x1: {  	(tag) =	ssettag $0x0;
	lr =	simm.s32 $0x1  }
0x2: {  	[smem:$0x3F8E] =	sst lr;
	_ =	strace $0xD0000000  }
0x3: {  	_ = 	snop  }
0x4: {  	_ = 	snop  }
0x5: {  	_ = 	snop  }
0x6: {  	_ = 	snop  }
0x7: {  	_ = 	snop  }
__scs_overlays_trampoline_lowered:
0x8: {  	[smem:$0x3F9D] =	sst s0  }
0x9: {  	[smem:$0x3F9E] =	sst s1  }
0xa: {  	[smem:$0x3F9F] =	sst s2  }
0xb: {  	[smem:$0x3FA0] =	sst s3  }
0xc: {  	[smem:$0x3FA1] =	sst s4  }
0xd: {  	[smem:$0x3FA2] =	sst s5  }
0xe: {  	[smem:$0x3FA3] =	sst s6  }
0xf: {  	[smem:$0x3FA4] =	sst s7  }
0x10: {  	[smem:$0x3FA5] =	sst s8  }
0x11: {  	[smem:$0x3FA6] =	sst s9;
	s0 =	simm.s32 @!p0 $0x0  }
0x12: {  	s1 =	sld [smem:$0x3F8C];
	s0 =	simm.s32 @p0 $0x1  }
0x13: {  	[smem:$0x3FA7] =	sst s0;
	s0 =	simm.s32 @!p1 $0x0  }
0x14: {  	s2 =	sld [smem:$0x3F8B];
	s0 =	simm.s32 @p1 $0x1  }
0x15: {  	[smem:$0x3FA8] =	sst s0;
	s0 =	simm.s32 @!p2 $0x0  }
0x16: {  	s3 =	sld [smem:$0x3FDB];
	s0 =	simm.s32 @p2 $0x1  }
0x17: {  	s4 =	simm.s32 $0x1BF5;
	[smem:$0x3FAA] =	sst s0  }
0x18: {  	s0 =	sld [smem:$0x3F8D];
	_ =	swait.ge [sflag:s4], $0x0  }
0x19: {  	s7 =	sld [smem:$0x3F8E]  }
0x1a: {  	s8 =	sadd.s32 $0xFFFFE003, lr  }
0x1b: {  	s9 =	sadd.s32 $0xFFFFFEF7, lr;
	s5 =	simm.s32 $0xFFFFFFFF;
	p2 =	slt.u32 s8, $0xFFFFF086  }
0x1c: {  	p1 =	slt.u32 s9, $0xF7A;
	s5 =	simm.s32 @!p2 $0x0  }
0x1d: {  	s5 =	simm.s32 @p1 $0x1;
	p0 =	seq.s32 s7, s2  }
0x1e: {  	s7 =	smul.u32 @!p0 $0xF7A, s2;
	p2 =	seq.s32 @!p0 s5, $0x0  }
0x1f: {  	s9 =	smul.u32 $0xF7A, s1;
	s8 =	simm.s32 @!p0 $0x1BF5;
	p2 =	por !p2, p0  }
0x20: {  	[sflag:s8] =	ssyncset.s32 @!p0 $0xFFFFF086;
	s6 =	sadd.s32 @!p0 s3, s7;
	s7 =	simm.s32 @!p0 $0x108  }
0x21: {  	s3 =	sadd.s32 s3, s9;
	s6 =	sadd.s32 @!p0 $0x88, s6;
	s7 =	simm.s32 @p2 $0x1082  }
0x22: {  	[simem:s7], [sflag:s8] =	dma.local @!p0 [hbm:s6], $0xF7A  }
0x23: {  	s9 =	sor.u32 $0xD0000000, s2;
	s6 =	simm.s32 $0x108;
	_ =	swait.ge @!p0 [sflag:s8], $0x0  }
0x24: {  	s3 =	sadd.s32 $0x88, s3;
	s6 =	simm.s32 @!p1 $0x1082;
	[sflag:s4] =	ssyncset.s32 $0xFFFFF086  }
0x25: {  	[simem:s6], [sflag:s4] =	dma.local [hbm:s3], $0xF7A  }
0x26: {  	[smem:$0x3F8E] =	sst s1;
	(tag) =	ssettag s2;
	_ =	strace s9  }
0x27: {  	s1 =	sld [smem:$0x3F9E]  }
0x28: {  	s2 =	sld [smem:$0x3F9F]  }
0x29: {  	s4 =	sld [smem:$0x3FA1]  }
0x2a: {  	p0 =	seq.s32 s5, $0x0;
	s5 =	sld [smem:$0x3FA2]  }
0x2b: {  	s6 =	sld [smem:$0x3FA3]  }
0x2c: {  	s7 =	sld [smem:$0x3FA4]  }
0x2d: {  	s3 =	simm.s32 $0x108;
	s8 =	sld [smem:$0x3FA5]  }
0x2e: {  	s3 =	simm.s32 @!p0 $0x1082;
	s9 =	sld [smem:$0x3FA6]  }
0x2f: {  	lr =	sadd.s32 s0, s3;
	s0 =	sld [smem:$0x3F9D]  }
0x30: {  	s3 =	sld [smem:$0x3FA0]  }
0x31: {  	[smem:$0x3FA9] =	sst s10  }
0x32: {  	s10 =	sld [smem:$0x3FA7];
	_ =	sdelay $0x3  }
0x33: {  	p0 =	seq.s32 s10, $0x1;
	s10 =	sld [smem:$0x3FA9];
	_ =	sdelay $0x3  }
0x34: {  	[smem:$0x3FA9] =	sst s10  }
0x35: {  	s10 =	sld [smem:$0x3FA8];
	_ =	sdelay $0x3  }
0x36: {  	p1 =	seq.s32 s10, $0x1;
	s10 =	sld [smem:$0x3FA9];
	_ =	sdelay $0x3  }
0x37: {  	[smem:$0x3FA9] =	sst s10  }
0x38: {  	s10 =	sld [smem:$0x3FAA]  }
0x39: {  	_ = 	snop;
	(pc) =	sbr.ind lr, $3  }
0x3a: {  	_ = 	snop  }
0x3b: {  	_ = 	snop  }
0x3c: {  	p2 =	seq.s32 s10, $0x1;
	s10 =	sld [smem:$0x3FA9]  }
0x3d: {  	_ =	shalt  }
0x3e: {  	_ =	shalt  }
0x3f: {  	_ =	shalt  }
0x40: {  	_ =	shalt  }
0x41: {  	_ =	shalt  }
0x42: {  	_ =	shalt  }
0x43: {  	_ =	shalt  }
0x44: {  	_ =	shalt  }
0x45: {  	_ =	shalt  }
0x46: {  	_ =	shalt  }
0x47: {  	_ =	shalt  }
0x48: {  	_ =	shalt  }
0x49: {  	_ =	shalt  }
0x4a: {  	_ =	shalt  }
0x4b: {  	_ =	shalt  }
0x4c: {  	_ =	shalt  }
0x4d: {  	_ =	shalt  }
0x4e: {  	_ =	shalt  }
0x4f: {  	_ =	shalt  }
0x50: {  	_ =	shalt  }
0x51: {  	_ =	shalt  }
0x52: {  	_ =	shalt  }
0x53: {  	_ =	shalt  }
0x54: {  	_ =	shalt  }
0x55: {  	_ =	shalt  }
0x56: {  	_ =	shalt  }
0x57: {  	_ =	shalt  }
0x58: {  	_ =	shalt  }
0x59: {  	_ =	shalt  }
0x5a: {  	_ =	shalt  }
0x5b: {  	_ =	shalt  }
0x5c: {  	_ =	shalt  }
0x5d: {  	_ =	shalt  }
0x5e: {  	_ =	shalt  }
0x5f: {  	_ =	shalt  }
0x60: {  	_ =	shalt  }
0x61: {  	_ =	shalt  }
0x62: {  	_ =	shalt  }
0x63: {  	_ =	shalt  }
0x64: {  	_ =	shalt  }
0x65: {  	_ =	shalt  }
0x66: {  	_ =	shalt  }
0x67: {  	_ =	shalt  }
0x68: {  	_ =	shalt  }
0x69: {  	_ =	shalt  }
0x6a: {  	_ =	shalt  }
0x6b: {  	_ =	shalt  }
0x6c: {  	_ =	shalt  }
0x6d: {  	_ =	shalt  }
0x6e: {  	_ =	shalt  }
0x6f: {  	_ =	shalt  }
0x70: {  	_ =	shalt  }
0x71: {  	_ =	shalt  }
0x72: {  	_ =	shalt  }
0x73: {  	_ =	shalt  }
0x74: {  	_ =	shalt  }
0x75: {  	_ =	shalt  }
0x76: {  	_ =	shalt  }
0x77: {  	_ =	shalt  }
0x78: {  	_ =	shalt  }
0x79: {  	_ =	shalt  }
0x7a: {  	_ =	shalt  }
0x7b: {  	_ =	shalt  }
0x7c: {  	_ =	shalt  }
0x7d: {  	_ =	shalt  }
0x7e: {  	_ =	shalt  }
0x7f: {  	_ =	shalt  }
0x80: {  	_ =	shalt  }
0x81: {  	_ =	shalt  }
0x82: {  	_ =	shalt  }
0x83: {  	_ =	shalt  }
0x84: {  	_ =	shalt  }
0x85: {  	_ =	shalt  }
0x86: {  	_ =	shalt  }
0x87: {  	_ =	shalt  }
.Lfunc_end0:
.L_simem_size_0:
called_computation.1_lowered:
.L_overlay_start_0:
0x88: {  	s0 =	sld [smem:$0x3FD9]  }
0x89: {  	s1 =	sld [smem:$0x3FFE];
	_ =	sdelay $0x3  }
0x8a: {  	s0 =	sadd.s32 s1, s0  }
0x8b: {  	[smem:$0x3FB5] =	sst s0  }
0x8c: {  	_ = 	snop  }
0x8d: {  	s0 =	sld [smem:$0x3FD0];
	(tm) =	ssettm $0x1  }
0x8e: {  	s16 =	sld [smem:$0x3FFB];
	_ =	sdelay $0x3  }
0x8f: {  	_ =	strace s16  }
0x90: {  	s1 =	sld [smem:$0x3FFC];
	_ =	sdelay $0x3  }
0x91: {  	_ =	strace s1  }
0x92: {  	s1 =	sld [smem:$0x3FFD];
	_ =	sdelay $0x3  }
0x93: {  	_ =	strace s1  }
0x94: {  	_ =	strace $0x8FFFFFFF  }
0x95: {  	s17 =	sld [smem:$0x3FDB];
	_ =	sdelay $0x1  }
0x96: {  	s2 =	simm.s32 $_scs_section_size  }
0x97: {  	s3 =	simm.s32 $_size__tile_overlayer_lowered;
	s4 =	simm.s32 $_tile_overlayer_lowered  }
0x98: {  	s20 =	simm.s32 $0x1BFF;
	s19 =	sshll.u32 s4, $0x1;
	s1 =	sadd.s32 s2, s17  }
0x99: {  	s5 =	simm.s32 $0x0;
	s18 =	sshll.u32 s3, $0x1;
	s3 =	sadd.s32 s19, s1  }
0x9a: {  	[timem:s5], [sflag:s20] =	dma.local [hbm:s3], s18  }
0x9b: {  	_ =	swait.ge [sflag:s20], s18  }
0x9c: {  	s2 =	ssub.s32 $0x0, s18;
	[sflag:s20] =	ssyncset.done $0x0  }
0x9d: {  	[sflag:s20] =	ssyncadd.s32 s2;
	_ =	sdelay $0x1  }
0x9e: {  	s21 =	simm.s32 $0x1B8B  }
0x9f: {  	_ =	swait.ge [sflag:s21], $0x1  }
0xa0: {  	[sflag:s21] =	ssyncset.done $0x0  }
0xa1: {  	s23 =	simm.s32 $0x1B8E;
	s22 =	sld [smem:$0x3FFE];
	[sflag:s21] =	ssyncadd.s32 $0xFFFFFFFF  }
0xa2: {  	s24 =	simm.s32 $execute0_lowered;
	[smem:$0x3FD2] =	sst s23  }
0xa3: {  	s3 =	sshll.u32 s24, $0x1;
	_ =	strace $0x80000049;
	[dreg:$0x1] =	wrdreg $0xFFFFFFFF  }
0xa4: {  	s25 =	simm.s32 $_size_execute0_lowered;
	s1 =	sadd.s32 s1, s3;
	[dreg:$0x0] =	wrdreg $0x0  }
0xa5: {  	s3 =	sshll.u32 s25, $0x1;
	[dreg:$0x2] =	wrdreg s1  }
0xa6: {  	[dreg:$0x3] =	wrdreg s3  }
0xa7: {  	[dreg:$0x4] =	wrdreg $0xC0  }
0xa8: {  	_ =	task [dreg:s5], $0x5FFFF  }
0xa9: {  	[dreg:$0x1] =	wrdreg $0xFFFFFFFF  }
0xaa: {  	[dreg:$0x0] =	wrdreg $0x60  }
0xab: {  	[dreg:$0x2] =	wrdreg s22  }
0xac: {  	[dreg:$0x3] =	wrdreg s0  }
0xad: {  	[dreg:$0x4] =	wrdreg $0x5AA00  }
0xae: {  	[dreg:$0x5] =	wrdreg $0x9  }
0xaf: {  	_ =	task.clear_ibuf [dreg:s5], $0x6FFFF;
	_ =	strace $0x90000049  }
0xb0: {  	s26 =	simm.s32 $0x9;
	_ =	strace $0x8000004B  }
0xb1: {  	_ =	swait.ge [sflag:s26], $0x1  }
0xb2: {  	[sflag:s26] =	ssyncadd.s32 $0xFFFFFFFF  }
0xb3: {  	_ =	strace $0x9000004B  }
0xb4: {  	_ =	sfence  }
0xb5: {  	s28 =	sld [smem:$0x0];
	_ =	sdelay $0x1  }
0xb6: {  	s29 =	srdreg.scid  }
0xb7: {  	s30 =	sshll.u32 s29, $0xD;
	s31 =	sshrl.u32 s29, $0x2  }
0xb8: {  	s2 =	sand.u32 $0x4000, s30;
	s1 =	sand.u32 $0x1, s29;
	s0 =	sadd.s32 s31, s28  }
0xb9: {  	s1 =	sor.u32 s2, s1;
	s0 =	sshll.u32 s0, $0x11  }
0xba: {  	s0 =	sor.u32 s0, s1  }
0xbb: {  	s0 =	sadd.s32 $0x8F2B, s0  }
0xbc: {  	[sflag:s0] =	ssyncadd.remote.s32 $0x1  }
0xbd: {  	_ =	sfence.sel $0xFFFF  }
0xbe: {  	[dreg:$0x0] =	wrdreg $0xFFFFFFFF;
	(pc) =	sbr.abs _section_cstart, $3  }
0xbf: {  	[dreg:$0x1] =	wrdreg $0xFFFFFFFF  }
0xc0: {  	_ =	task.clear_ibuf [dreg:s5], $0x2FFFF;
	_ =	strace $0x9FFFFFFF  }
0xc1: {  	(tm) =	ssettm $0x7FFFFFFF  }
tec
execute0_lowered:
.L_overlay_start_1:
0x0: {  	(tag) =	ssettag $0x1  }
0x1: {  	s5 =	rddreg [dreg:$0x0]  }
0x2: {  	s3 =	rddreg [dreg:$0x1]  }
0x3: {  	s2 =	rddreg [dreg:$0x2]  }
0x4: {  	s0 =	rddreg [dreg:$0x3];
	s6 =	simm.s32 $0x0;
	s1 =	stileid.u32  }
0x5: {  	s7 =	simm.s32 $0x50;
	[smem:$0x7FF] =	sst s6;
	s10 =	smul.u32 $0x5A000, s1  }
0x6: {  	s8 =	simm.s32 $0x5;
	s9 =	smul.u32 $0x280, s1;
	_ =	strace $0x8000004A  }
0x7: {  	[tilespmem:s7], [sflag:$0x5] =	stream.linear.gather [hbm4b:s3+s6], $0x2D00, $0x38;
	[tilespmem:$0x1C2A0] =	vst v63  }
0x8: {  	_ =	swait.ge [sflag:s8], $0x2D00  }
0x9: {  	s20 =	sshrl.u32 s10, $0x2;
	s4 =	sor.u32 $0x50, s9;
	[sflag:s8] =	ssyncset.done $0x0  }
0xa: {  	s3 =	sadd.s32 s20, s2;
	s21 =	smul.u32 $0x240, s4;
	[sflag:s8] =	ssyncadd.s32 $0xFFFFD300  }
0xb: {  	[spmem:s3] =	stream.linear.scatter [tilespmem:s7], [sflag:$0x5], $0x2D00, $0x38;
	[tilespmem:$0x1C2A0] =	vst v63  }
0xc: {  	_ =	swait.ge [sflag:s8], $0x2D00  }
0xd: {  	s3 =	sshrl.u32 s21, $0x2;
	[sflag:s8] =	ssyncset.done $0x0  }
0xe: {  	s3 =	sadd.s32 s3, s2;
	[sflag:s8] =	ssyncadd.s32 $0xFFFFD300  }
0xf: {  	[spmem:s3] =	stream.linear.scatter [tilespmem:s7], [sflag:$0x5], $0x2D00, $0x38;
	[tilespmem:$0x1C2A0] =	vst v63  }
0x10: {  	s3 =	sadd.s32 $0xA0, s9  }
0x11: {  	s11 =	smul.u32 $0x240, s3  }
0x12: {  	_ =	swait.ge [sflag:s8], $0x2D00  }
0x13: {  	[sflag:s8] =	ssyncset.done $0x0;
	s11 =	sshrl.u32 s11, $0x2  }
0x14: {  	[sflag:s8] =	ssyncadd.s32 $0xFFFFD300;
	s11 =	sadd.s32 s11, s2  }
0x15: {  	[spmem:s11] =	stream.linear.scatter [tilespmem:s7], [sflag:$0x5], $0x2D00, $0x38;
	[tilespmem:$0x1C2A0] =	vst v63  }
0x16: {  	s22 =	sadd.s32 $0x21C00, s10;
	_ =	swait.ge [sflag:s8], $0x2D00  }
0x17: {  	s11 =	sshrl.u32 s22, $0x2;
	[sflag:s8] =	ssyncset.done $0x0  }
0x18: {  	s11 =	sadd.s32 s11, s2;
	[sflag:s8] =	ssyncadd.s32 $0xFFFFD300  }
0x19: {  	[spmem:s11] =	stream.linear.scatter [tilespmem:s7], [sflag:$0x5], $0x2D00, $0x38;
	[tilespmem:$0x1C2A0] =	vst v63  }
0x1a: {  	s23 =	sadd.s32 $0x2D000, s10;
	_ =	swait.ge [sflag:s8], $0x2D00  }
0x1b: {  	s11 =	sshrl.u32 s23, $0x2;
	[sflag:s8] =	ssyncset.done $0x0  }
0x1c: {  	s11 =	sadd.s32 s11, s2;
	[sflag:s8] =	ssyncadd.s32 $0xFFFFD300  }
0x1d: {  	[spmem:s11] =	stream.linear.scatter [tilespmem:s7], [sflag:$0x5], $0x2D00, $0x38;
	[tilespmem:$0x1C2A0] =	vst v63  }
0x1e: {  	s24 =	sadd.s32 $0x38400, s10;
	_ =	swait.ge [sflag:s8], $0x2D00  }
0x1f: {  	s11 =	sshrl.u32 s24, $0x2;
	[sflag:s8] =	ssyncset.done $0x0  }
0x20: {  	s11 =	sadd.s32 s11, s2;
	[sflag:s8] =	ssyncadd.s32 $0xFFFFD300  }
0x21: {  	[spmem:s11] =	stream.linear.scatter [tilespmem:s7], [sflag:$0x5], $0x2D00, $0x38;
	[tilespmem:$0x1C2A0] =	vst v63  }
0x22: {  	s25 =	sadd.s32 $0x43800, s10;
	_ =	swait.ge [sflag:s8], $0x2D00  }
0x23: {  	s11 =	sshrl.u32 s25, $0x2;
	[sflag:s8] =	ssyncset.done $0x0  }
0x24: {  	s11 =	sadd.s32 s11, s2;
	[sflag:s8] =	ssyncadd.s32 $0xFFFFD300  }
0x25: {  	[spmem:s11] =	stream.linear.scatter [tilespmem:s7], [sflag:$0x5], $0x2D00, $0x38;
	[tilespmem:$0x1C2A0] =	vst v63  }
0x26: {  	s10 =	sadd.s32 $0x4EC00, s10;
	_ =	swait.ge [sflag:s8], $0x2D00  }
0x27: {  	s10 =	sshrl.u32 s10, $0x2;
	[sflag:s8] =	ssyncset.done $0x0  }
0x28: {  	s10 =	sadd.s32 s10, s2;
	[sflag:s8] =	ssyncadd.s32 $0xFFFFD300  }
0x29: {  	[spmem:s10] =	stream.linear.scatter [tilespmem:s7], [sflag:$0x5], $0x2D00, $0x38;
	[tilespmem:$0x1C2A0] =	vst v63  }
0x2a: {  	s26 =	smul.u32 $0x4E20, s1;
	_ =	swait.ge [sflag:s8], $0x2D00  }
0x2b: {  	s28 =	sadd.s32 $0x22400, s5;
	s13 =	sadd.s32 $0x2C200, s5;
	[sflag:s8] =	ssyncset.done $0x0  }
0x2c: {  	s14 =	smul.u32 $0x57E40, s1;
	s12 =	sshrl.u32 s26, $0x3;
	[sflag:s8] =	ssyncadd.s32 $0xFFFFD300  }
0x2d: {  	s12 =	sadd.s32 s28, s12;
	s10 =	sadd.s32 $0x50, s26;
	[bflag:$0x0] =	sbarrier.arrive $0xFFFF  }
0x2e: {  	[tilespmem:s6], [sflag:$0x1] =	stream.linear.gather [hbm4b:s12+s6], $0x50, $0x38;
	[tilespmem:$0x1C2A0] =	vst v63  }
0x2f: {  	s14 =	sadd.s32 s13, s14;
	s29 =	sshrl.u32 s10, $0x3  }
0x30: {  	[tilespmem:s7], [sflag:$0x2] =	stream.linear.gather [hbm4b:s14+s6], $0x2D00, $0x38;
	[tilespmem:$0x1C2A0] =	vst v63  }
0x31: {  	s15 =	simm.s32 $0x2D50;
	s10 =	smul.u32 $0x12, s10;
	s12 =	sadd.s32 s28, s29  }
0x32: {  	[tilespmem:s15], [sflag:$0x3] =	stream.linear.gather [hbm4b:s12+s6], $0x50, $0x38;
	[tilespmem:$0x1C2A0] =	vst v63  }
0x33: {  	s16 =	simm.s32 $0x2DA0;
	s17 =	simm.s32 $0x1;
	s10 =	sadd.s32 s13, s10  }
0x34: {  	[tilespmem:s16], [sflag:$0x4] =	stream.linear.gather [hbm4b:s10+s6], $0x2D00, $0x38;
	[tilespmem:$0x1C2A0] =	vst v63  }
0x35: {  	_ =	swait.ge [sflag:s17], $0x50  }
0x36: {  	[sflag:s17] =	ssyncset.done $0x0  }
0x37: {  	s18 =	simm.s32 $0x2;
	[sflag:s17] =	ssyncadd.s32 $0xFFFFFFB0  }
0x38: {  	_ =	swait.ge [sflag:s18], $0x2D00  }
0x39: {  	[sflag:s18] =	ssyncset.done $0x0  }
0x3a: {  	s30 =	smul.u32 $0x9C4, s1;
	[sflag:s18] =	ssyncadd.s32 $0xFFFFD300  }
0x3b: {  	[spmem:s2] =	stream.indirect.scatter.add.f32 [tilespmem:s7], [sflag:$0x5], $0x90, s6, s7, $0xb8;
	[tilespmem:$0x1C2A0] =	vst v63  }
0x3c: {  	s10 =	sadd.s32 s30, s28;
	_ =	swait.ge [sflag:s8], $0x2D00  }
0x3d: {  	s22 =	sadd.s32 $0x1E, s10;
	[sflag:s8] =	ssyncset.done $0x0  }
0x3e: {  	s23 =	sadd.s32 $0x0, s14;
	s10 =	sadd.s32 $0xFFFFFFF6, s22;
	[sflag:s8] =	ssyncadd.s32 $0xFFFFD300  }
0x3f: {  	[tilespmem:s6], [sflag:$0x1] =	stream.linear.gather [hbm4b:s10+s6], $0x50, $0x38;
	[tilespmem:$0x1C2A0] =	vst v63  }
0x40: {  	s19 =	simm.s32 $0x3;
	s31 =	sadd.s32 $0xB40, s23  }
0x41: {  	[tilespmem:s7], [sflag:$0x2] =	stream.linear.gather [hbm4b:s31+s6], $0x2D00, $0x38;
	[tilespmem:$0x1C2A0] =	vst v63  }
0x42: {  	_ =	swait.ge [sflag:s19], $0x50  }
0x43: {  	[sflag:s19] =	ssyncset.done $0x0  }
0x44: {  	s20 =	simm.s32 $0x4;
	[sflag:s19] =	ssyncadd.s32 $0xFFFFFFB0  }
0x45: {  	_ =	swait.ge [sflag:s20], $0x2D00  }
0x46: {  	[sflag:s20] =	ssyncset.done $0x0  }
0x47: {  	[sflag:s20] =	ssyncadd.s32 $0xFFFFD300  }
0x48: {  	[spmem:s2] =	stream.indirect.scatter.add.f32 [tilespmem:s16], [sflag:$0x5], $0x90, s15, s7, $0xb8;
	[tilespmem:$0x1C2A0] =	vst v63  }
0x49: {  	s5 =	sadd.s32 $0x5AA600, s5;
	s21 =	simm.s32 $0xB40;
	_ =	swait.ge [sflag:s8], $0x2D00  }
0x4a: {  	s23 =	sadd.s32 $0x10E0, s23;
	s11 =	sadd.s32 $0x190, s9;
	[sflag:s8] =	ssyncset.done $0x0  }
0x4b: {  	s13 =	sadd.s32 $0xF0, s9;
	s12 =	sadd.s32 $0x140, s9;
	[sflag:s8] =	ssyncadd.s32 $0xFFFFD300  }
0x4c: {  	[tilespmem:s15], [sflag:$0x3] =	stream.linear.gather [hbm4b:s22+s6], $0x50, $0x38;
	[tilespmem:$0x1C2A0] =	vst v63  }
0x4d: {  	s10 =	sadd.s32 $0x1E0, s9;
	s9 =	sadd.s32 $0x230, s9;
	s22 =	sadd.s32 $0x14, s22  }
.LBB2_1:
0x4e: {  	[tilespmem:s16], [sflag:$0x4] =	stream.linear.gather [hbm4b:s23+s6], $0x2D00, $0x38;
	[tilespmem:$0x1C2A0] =	vst v63  }
0x4f: {  	s23 =	smov.u32 s21  }
0x50: {  	p0 =	sne.s32 s21, $0x567C0;
	s21 =	sadd.s32 $0xB40, s21;
	_ =	swait.ge [sflag:s17], $0x50  }
0x51: {  	[sflag:s17] =	ssyncset.done $0x0  }
0x52: {  	[sflag:s17] =	ssyncadd.s32 $0xFFFFFFB0  }
0x53: {  	_ =	swait.ge [sflag:s18], $0x2D00  }
0x54: {  	[sflag:s18] =	ssyncset.done $0x0  }
0x55: {  	[sflag:s18] =	ssyncadd.s32 $0xFFFFD300  }
0x56: {  	[spmem:s2] =	stream.indirect.scatter.add.f32 [tilespmem:s7], [sflag:$0x5], $0x90, s6, s7, $0xb8;
	[tilespmem:$0x1C2A0] =	vst v63  }
0x57: {  	_ =	swait.ge [sflag:s8], $0x2D00  }
0x58: {  	[sflag:s8] =	ssyncset.done $0x0  }
0x59: {  	s24 =	sadd.s32 $0xFFFFFFF6, s22;
	s23 =	sadd.s32 s23, s14;
	[sflag:s8] =	ssyncadd.s32 $0xFFFFD300  }
0x5a: {  	[tilespmem:s6], [sflag:$0x1] =	stream.linear.gather [hbm4b:s24+s6], $0x50, $0x38;
	[tilespmem:$0x1C2A0] =	vst v63  }
0x5b: {  	s24 =	sadd.s32 $0xB40, s23  }
0x5c: {  	[tilespmem:s7], [sflag:$0x2] =	stream.linear.gather [hbm4b:s24+s6], $0x2D00, $0x38;
	[tilespmem:$0x1C2A0] =	vst v63  }
0x5d: {  	_ =	swait.ge [sflag:s19], $0x50  }
0x5e: {  	[sflag:s19] =	ssyncset.done $0x0  }
0x5f: {  	[sflag:s19] =	ssyncadd.s32 $0xFFFFFFB0  }
0x60: {  	_ =	swait.ge [sflag:s20], $0x2D00  }
0x61: {  	[sflag:s20] =	ssyncset.done $0x0  }
0x62: {  	[sflag:s20] =	ssyncadd.s32 $0xFFFFD300  }
0x63: {  	[spmem:s2] =	stream.indirect.scatter.add.f32 [tilespmem:s16], [sflag:$0x5], $0x90, s15, s7, $0xb8;
	[tilespmem:$0x1C2A0] =	vst v63  }
.Ltmp0:
0x64: {  	_ =	swait.ge [sflag:s8], $0x2D00;
	(pc) =	sbr.rel @p0 .LBB2_1-.Ltmp0, $4  }
0x65: {  	[sflag:s8] =	ssyncset.done $0x0  }
0x66: {  	[sflag:s8] =	ssyncadd.s32 $0xFFFFD300  }
0x67: {  	[tilespmem:s15], [sflag:$0x3] =	stream.linear.gather [hbm4b:s22+s6], $0x50, $0x38;
	[tilespmem:$0x1C2A0] =	vst v63  }
0x68: {  	s23 =	sadd.s32 $0x10E0, s23;
	s22 =	sadd.s32 $0x14, s22  }
0x69: {  	[tilespmem:s16], [sflag:$0x4] =	stream.linear.gather [hbm4b:s23+s6], $0x2D00, $0x38;
	[tilespmem:$0x1C2A0] =	vst v63  }
0x6a: {  	s28 =	simm.s32 $0x1  }
0x6b: {  	_ =	swait.ge [sflag:s28], $0x50  }
0x6c: {  	[sflag:s28] =	ssyncset.done $0x0  }
0x6d: {  	s29 =	simm.s32 $0x2;
	[sflag:s28] =	ssyncadd.s32 $0xFFFFFFB0  }
0x6e: {  	_ =	swait.ge [sflag:s29], $0x2D00  }
0x6f: {  	s6 =	simm.s32 $0x0;
	[sflag:s29] =	ssyncset.done $0x0  }
0x70: {  	s8 =	simm.s32 $0x50;
	s7 =	simm.s32 $0x5;
	[sflag:s29] =	ssyncadd.s32 $0xFFFFD300  }
0x71: {  	[spmem:s2] =	stream.indirect.scatter.add.f32 [tilespmem:s8], [sflag:$0x5], $0x90, s6, s8, $0xb8;
	[tilespmem:$0x1C2A0] =	vst v63  }
0x72: {  	_ =	swait.ge [sflag:s7], $0x2D00  }
0x73: {  	[sflag:s7] =	ssyncset.done $0x0  }
0x74: {  	s14 =	simm.s32 $0x3;
	[sflag:s7] =	ssyncadd.s32 $0xFFFFD300  }
0x75: {  	_ =	swait.ge [sflag:s14], $0x50  }
0x76: {  	[sflag:s14] =	ssyncset.done $0x0  }
0x77: {  	s30 =	simm.s32 $0x4;
	[sflag:s14] =	ssyncadd.s32 $0xFFFFFFB0  }
0x78: {  	_ =	swait.ge [sflag:s30], $0x2D00  }
0x79: {  	[sflag:s30] =	ssyncset.done $0x0  }
0x7a: {  	s31 =	simm.s32 $0x2D50;
	s15 =	simm.s32 $0x2DA0;
	[sflag:s30] =	ssyncadd.s32 $0xFFFFD300  }
0x7b: {  	[spmem:s2] =	stream.indirect.scatter.add.f32 [tilespmem:s15], [sflag:$0x5], $0x90, s31, s8, $0xb8;
	[tilespmem:$0x1C2A0] =	vst v63  }
0x7c: {  	_ =	swait.ge [sflag:s7], $0x2D00  }
0x7d: {  	s16 =	smul.u32 $0x16800, s1;
	[sflag:s7] =	ssyncset.done $0x0  }
0x7e: {  	[sflag:s7] =	ssyncadd.s32 $0xFFFFD300  }
0x7f: {  	s17 =	sadd.s32 s16, s2;
	[bflag:$0x0] =	sbarrier.arrive $0xFFFF  }
0x80: {  	[tilespmem:s8], [sflag:$0x5] =	stream.linear.gather [spmem:s17], $0x2D00, $0x38;
	[tilespmem:$0x1C2A0] =	vst v63  }
0x81: {  	_ =	swait.ge [sflag:s7], $0x2D00  }
0x82: {  	s14 =	sshrl.u32 s16, $0x3;
	[sflag:s7] =	ssyncset.done $0x0  }
0x83: {  	s14 =	sadd.s32 s5, s14;
	[sflag:s7] =	ssyncadd.s32 $0xFFFFD300  }
0x84: {  	[hbm4b:s14+s6] =	stream.linear.scatter [tilespmem:s8], [sflag:$0x5], $0x2D00, $0x38;
	[tilespmem:$0x1C2A0] =	vst v63  }
0x85: {  	s4 =	smul.u32 $0x90, s4;
	_ =	swait.ge [sflag:s7], $0x2D00  }
0x86: {  	[sflag:s7] =	ssyncset.done $0x0  }
0x87: {  	s18 =	sadd.s32 s4, s2;
	[sflag:s7] =	ssyncadd.s32 $0xFFFFD300  }
0x88: {  	[tilespmem:s8], [sflag:$0x5] =	stream.linear.gather [spmem:s18], $0x2D00, $0x38;
	[tilespmem:$0x1C2A0] =	vst v63  }
0x89: {  	_ =	swait.ge [sflag:s7], $0x2D00  }
0x8a: {  	s4 =	sshrl.u32 s4, $0x3;
	[sflag:s7] =	ssyncset.done $0x0  }
0x8b: {  	s4 =	sadd.s32 s5, s4;
	[sflag:s7] =	ssyncadd.s32 $0xFFFFD300  }
0x8c: {  	[hbm4b:s4+s6] =	stream.linear.scatter [tilespmem:s8], [sflag:$0x5], $0x2D00, $0x38;
	[tilespmem:$0x1C2A0] =	vst v63  }
0x8d: {  	s3 =	smul.u32 $0x90, s3;
	_ =	swait.ge [sflag:s7], $0x2D00  }
0x8e: {  	[sflag:s7] =	ssyncset.done $0x0  }
0x8f: {  	s19 =	sadd.s32 s3, s2;
	[sflag:s7] =	ssyncadd.s32 $0xFFFFD300  }
0x90: {  	[tilespmem:s8], [sflag:$0x5] =	stream.linear.gather [spmem:s19], $0x2D00, $0x38;
	[tilespmem:$0x1C2A0] =	vst v63  }
0x91: {  	_ =	swait.ge [sflag:s7], $0x2D00  }
0x92: {  	s3 =	sshrl.u32 s3, $0x3;
	[sflag:s7] =	ssyncset.done $0x0  }
0x93: {  	s3 =	sadd.s32 s5, s3;
	[sflag:s7] =	ssyncadd.s32 $0xFFFFD300  }
0x94: {  	[hbm4b:s3+s6] =	stream.linear.scatter [tilespmem:s8], [sflag:$0x5], $0x2D00, $0x38;
	[tilespmem:$0x1C2A0] =	vst v63  }
0x95: {  	s20 =	smul.u32 $0x90, s13;
	_ =	swait.ge [sflag:s7], $0x2D00  }
0x96: {  	[sflag:s7] =	ssyncset.done $0x0  }
0x97: {  	s21 =	sadd.s32 s20, s2;
	[sflag:s7] =	ssyncadd.s32 $0xFFFFD300  }
0x98: {  	[tilespmem:s8], [sflag:$0x5] =	stream.linear.gather [spmem:s21], $0x2D00, $0x38;
	[tilespmem:$0x1C2A0] =	vst v63  }
0x99: {  	_ =	swait.ge [sflag:s7], $0x2D00  }
0x9a: {  	s3 =	sshrl.u32 s20, $0x3;
	[sflag:s7] =	ssyncset.done $0x0  }
0x9b: {  	s3 =	sadd.s32 s5, s3;
	[sflag:s7] =	ssyncadd.s32 $0xFFFFD300  }
0x9c: {  	[hbm4b:s3+s6] =	stream.linear.scatter [tilespmem:s8], [sflag:$0x5], $0x2D00, $0x38;
	[tilespmem:$0x1C2A0] =	vst v63  }
0x9d: {  	s22 =	smul.u32 $0x90, s12;
	_ =	swait.ge [sflag:s7], $0x2D00  }
0x9e: {  	[sflag:s7] =	ssyncset.done $0x0  }
0x9f: {  	s23 =	sadd.s32 s22, s2;
	[sflag:s7] =	ssyncadd.s32 $0xFFFFD300  }
0xa0: {  	[tilespmem:s8], [sflag:$0x5] =	stream.linear.gather [spmem:s23], $0x2D00, $0x38;
	[tilespmem:$0x1C2A0] =	vst v63  }
0xa1: {  	_ =	swait.ge [sflag:s7], $0x2D00  }
0xa2: {  	s3 =	sshrl.u32 s22, $0x3;
	[sflag:s7] =	ssyncset.done $0x0  }
0xa3: {  	s3 =	sadd.s32 s5, s3;
	[sflag:s7] =	ssyncadd.s32 $0xFFFFD300  }
0xa4: {  	[hbm4b:s3+s6] =	stream.linear.scatter [tilespmem:s8], [sflag:$0x5], $0x2D00, $0x38;
	[tilespmem:$0x1C2A0] =	vst v63  }
0xa5: {  	s24 =	smul.u32 $0x90, s11;
	_ =	swait.ge [sflag:s7], $0x2D00  }
0xa6: {  	[sflag:s7] =	ssyncset.done $0x0  }
0xa7: {  	s25 =	sadd.s32 s24, s2;
	[sflag:s7] =	ssyncadd.s32 $0xFFFFD300  }
0xa8: {  	[tilespmem:s8], [sflag:$0x5] =	stream.linear.gather [spmem:s25], $0x2D00, $0x38;
	[tilespmem:$0x1C2A0] =	vst v63  }
0xa9: {  	_ =	swait.ge [sflag:s7], $0x2D00  }
0xaa: {  	s3 =	sshrl.u32 s24, $0x3;
	[sflag:s7] =	ssyncset.done $0x0  }
0xab: {  	s3 =	sadd.s32 s5, s3;
	[sflag:s7] =	ssyncadd.s32 $0xFFFFD300  }
0xac: {  	[hbm4b:s3+s6] =	stream.linear.scatter [tilespmem:s8], [sflag:$0x5], $0x2D00, $0x38;
	[tilespmem:$0x1C2A0] =	vst v63  }
0xad: {  	s26 =	smul.u32 $0x90, s10;
	_ =	swait.ge [sflag:s7], $0x2D00  }
0xae: {  	[sflag:s7] =	ssyncset.done $0x0  }
0xaf: {  	s28 =	sadd.s32 s26, s2;
	[sflag:s7] =	ssyncadd.s32 $0xFFFFD300  }
0xb0: {  	[tilespmem:s8], [sflag:$0x5] =	stream.linear.gather [spmem:s28], $0x2D00, $0x38;
	[tilespmem:$0x1C2A0] =	vst v63  }
0xb1: {  	_ =	swait.ge [sflag:s7], $0x2D00  }
0xb2: {  	s3 =	sshrl.u32 s26, $0x3;
	[sflag:s7] =	ssyncset.done $0x0  }
0xb3: {  	s3 =	sadd.s32 s5, s3;
	[sflag:s7] =	ssyncadd.s32 $0xFFFFD300  }
0xb4: {  	[hbm4b:s3+s6] =	stream.linear.scatter [tilespmem:s8], [sflag:$0x5], $0x2D00, $0x38;
	[tilespmem:$0x1C2A0] =	vst v63  }
0xb5: {  	s29 =	smul.u32 $0x90, s9;
	_ =	swait.ge [sflag:s7], $0x2D00  }
0xb6: {  	[sflag:s7] =	ssyncset.done $0x0  }
0xb7: {  	s30 =	sadd.s32 s29, s2;
	[sflag:s7] =	ssyncadd.s32 $0xFFFFD300  }
0xb8: {  	[tilespmem:s8], [sflag:$0x5] =	stream.linear.gather [spmem:s30], $0x2D00, $0x38;
	[tilespmem:$0x1C2A0] =	vst v63  }
0xb9: {  	_ =	swait.ge [sflag:s7], $0x2D00  }
0xba: {  	s31 =	sshrl.u32 s29, $0x3;
	[sflag:s7] =	ssyncset.done $0x0  }
0xbb: {  	s2 =	sadd.s32 s5, s31;
	[sflag:s7] =	ssyncadd.s32 $0xFFFFD300  }
0xbc: {  	[hbm4b:s2+s6] =	stream.linear.scatter [tilespmem:s8], [sflag:$0x5], $0x2D00, $0x38;
	[tilespmem:$0x1C2A0] =	vst v63  }
0xbd: {  	_ =	swait.ge [sflag:s7], $0x2D00  }
0xbe: {  	[sflag:s7] =	ssyncset.done $0x0  }
0xbf: {  	[sflag:s7] =	ssyncadd.s32 $0xFFFFD300  }
0xc0: {  	_ =	sfence.sel $0x180000  }
0xc1: {  	[bflag:$0x0] =	sbarrier.arrive $0xFFFF  }
0xc2: {  	p0 =	sne.s32 s1, $0x0;
	_ =	strace $0x9000004A  }
0xc3: {  	s0 =	sadd.s32 @!p0 $0x100000, s0;
	[bflag:$0x2] =	sbarrier.arrive $0xFFFF  }
0xc4: {  	[sflag:s0] =	ssyncadd.tile.s32 @!p0 $0x1;
	_ =	shalt  }
.Lfunc_end2:
_tile_overlayer_lowered:
.L_overlay_start_2:
0xc5: {  	(tag) =	ssettag $0x2  }
0xc6: {  	s0 =	rddreg [dreg:$0x0];
	s2 =	stileid.u32  }
0xc7: {  	s1 =	rddreg [dreg:$0x1];
	p0 =	sne.s32 s2, $0x0  }
0xc8: {  	s3 =	rddreg [dreg:$0x2];
	[bflag:$0x3] =	sbarrier.arrive $0xFFFF;
	s2 =	simm.s32 @!p0 $0x1C05  }
0xc9: {  	[timem:s3], [sflag:s2] =	dma.local @!p0 [hbm:s0], s1  }
0xca: {  	s0 =	simm.s32 @!p0 $0x5  }
0xcb: {  	_ =	swait.ge @!p0 [sflag:s0], s1  }
0xcc: {  	s1 =	ssub.s32 @!p0 $0x0, s1;
	[sflag:s0] =	ssyncset.done @!p0 $0x0  }
0xcd: {  	[sflag:s0] =	ssyncadd.s32 @!p0 s1  }
0xce: {  	[bflag:$0x3] =	sbarrier.arrive $0xFFFF  }
0xcf: {  	_ =	shalt  }

// kernel: kernel.7.cloned.1.call-start
scs
__scs_entry_jumppad:
0x0: {  	(pc) =	sbr.rel $0x88, $3  }
0x1: {  	(tag) =	ssettag $0x0;
	lr =	simm.s32 $0x1  }
0x2: {  	[smem:$0x3F8E] =	sst lr;
	_ =	strace $0xD0000000  }
0x3: {  	_ = 	snop  }
0x4: {  	_ = 	snop  }
0x5: {  	_ = 	snop  }
0x6: {  	_ = 	snop  }
0x7: {  	_ = 	snop  }
__scs_overlays_trampoline_lowered:
0x8: {  	[smem:$0x3F9D] =	sst s0  }
0x9: {  	[smem:$0x3F9E] =	sst s1  }
0xa: {  	[smem:$0x3F9F] =	sst s2  }
0xb: {  	[smem:$0x3FA0] =	sst s3  }
0xc: {  	[smem:$0x3FA1] =	sst s4  }
0xd: {  	[smem:$0x3FA2] =	sst s5  }
0xe: {  	[smem:$0x3FA3] =	sst s6  }
0xf: {  	[smem:$0x3FA4] =	sst s7  }
0x10: {  	[smem:$0x3FA5] =	sst s8  }
0x11: {  	[smem:$0x3FA6] =	sst s9;
	s0 =	simm.s32 @!p0 $0x0  }
0x12: {  	s1 =	sld [smem:$0x3F8C];
	s0 =	simm.s32 @p0 $0x1  }
0x13: {  	[smem:$0x3FA7] =	sst s0;
	s0 =	simm.s32 @!p1 $0x0  }
0x14: {  	s2 =	sld [smem:$0x3F8B];
	s0 =	simm.s32 @p1 $0x1  }
0x15: {  	[smem:$0x3FA8] =	sst s0;
	s0 =	simm.s32 @!p2 $0x0  }
0x16: {  	s3 =	sld [smem:$0x3FDB];
	s0 =	simm.s32 @p2 $0x1  }
0x17: {  	s4 =	simm.s32 $0x1BF5;
	[smem:$0x3FAA] =	sst s0  }
0x18: {  	s0 =	sld [smem:$0x3F8D];
	_ =	swait.ge [sflag:s4], $0x0  }
0x19: {  	s7 =	sld [smem:$0x3F8E]  }
0x1a: {  	s8 =	sadd.s32 $0xFFFFE003, lr  }
0x1b: {  	s9 =	sadd.s32 $0xFFFFFEF7, lr;
	s5 =	simm.s32 $0xFFFFFFFF;
	p2 =	slt.u32 s8, $0xFFFFF086  }
0x1c: {  	p1 =	slt.u32 s9, $0xF7A;
	s5 =	simm.s32 @!p2 $0x0  }
0x1d: {  	s5 =	simm.s32 @p1 $0x1;
	p0 =	seq.s32 s7, s2  }
0x1e: {  	s7 =	smul.u32 @!p0 $0xF7A, s2;
	p2 =	seq.s32 @!p0 s5, $0x0  }
0x1f: {  	s9 =	smul.u32 $0xF7A, s1;
	s8 =	simm.s32 @!p0 $0x1BF5;
	p2 =	por !p2, p0  }
0x20: {  	[sflag:s8] =	ssyncset.s32 @!p0 $0xFFFFF086;
	s6 =	sadd.s32 @!p0 s3, s7;
	s7 =	simm.s32 @!p0 $0x108  }
0x21: {  	s3 =	sadd.s32 s3, s9;
	s6 =	sadd.s32 @!p0 $0x88, s6;
	s7 =	simm.s32 @p2 $0x1082  }
0x22: {  	[simem:s7], [sflag:s8] =	dma.local @!p0 [hbm:s6], $0xF7A  }
0x23: {  	s9 =	sor.u32 $0xD0000000, s2;
	s6 =	simm.s32 $0x108;
	_ =	swait.ge @!p0 [sflag:s8], $0x0  }
0x24: {  	s3 =	sadd.s32 $0x88, s3;
	s6 =	simm.s32 @!p1 $0x1082;
	[sflag:s4] =	ssyncset.s32 $0xFFFFF086  }
0x25: {  	[simem:s6], [sflag:s4] =	dma.local [hbm:s3], $0xF7A  }
0x26: {  	[smem:$0x3F8E] =	sst s1;
	(tag) =	ssettag s2;
	_ =	strace s9  }
0x27: {  	s1 =	sld [smem:$0x3F9E]  }
0x28: {  	s2 =	sld [smem:$0x3F9F]  }
0x29: {  	s4 =	sld [smem:$0x3FA1]  }
0x2a: {  	p0 =	seq.s32 s5, $0x0;
	s5 =	sld [smem:$0x3FA2]  }
0x2b: {  	s6 =	sld [smem:$0x3FA3]  }
0x2c: {  	s7 =	sld [smem:$0x3FA4]  }
0x2d: {  	s3 =	simm.s32 $0x108;
	s8 =	sld [smem:$0x3FA5]  }
0x2e: {  	s3 =	simm.s32 @!p0 $0x1082;
	s9 =	sld [smem:$0x3FA6]  }
0x2f: {  	lr =	sadd.s32 s0, s3;
	s0 =	sld [smem:$0x3F9D]  }
0x30: {  	s3 =	sld [smem:$0x3FA0]  }
0x31: {  	[smem:$0x3FA9] =	sst s10  }
0x32: {  	s10 =	sld [smem:$0x3FA7];
	_ =	sdelay $0x3  }
0x33: {  	p0 =	seq.s32 s10, $0x1;
	s10 =	sld [smem:$0x3FA9];
	_ =	sdelay $0x3  }
0x34: {  	[smem:$0x3FA9] =	sst s10  }
0x35: {  	s10 =	sld [smem:$0x3FA8];
	_ =	sdelay $0x3  }
0x36: {  	p1 =	seq.s32 s10, $0x1;
	s10 =	sld [smem:$0x3FA9];
	_ =	sdelay $0x3  }
0x37: {  	[smem:$0x3FA9] =	sst s10  }
0x38: {  	s10 =	sld [smem:$0x3FAA]  }
0x39: {  	_ = 	snop;
	(pc) =	sbr.ind lr, $3  }
0x3a: {  	_ = 	snop  }
0x3b: {  	_ = 	snop  }
0x3c: {  	p2 =	seq.s32 s10, $0x1;
	s10 =	sld [smem:$0x3FA9]  }
0x3d: {  	_ =	shalt  }
0x3e: {  	_ =	shalt  }
0x3f: {  	_ =	shalt  }
0x40: {  	_ =	shalt  }
0x41: {  	_ =	shalt  }
0x42: {  	_ =	shalt  }
0x43: {  	_ =	shalt  }
0x44: {  	_ =	shalt  }
0x45: {  	_ =	shalt  }
0x46: {  	_ =	shalt  }
0x47: {  	_ =	shalt  }
0x48: {  	_ =	shalt  }
0x49: {  	_ =	shalt  }
0x4a: {  	_ =	shalt  }
0x4b: {  	_ =	shalt  }
0x4c: {  	_ =	shalt  }
0x4d: {  	_ =	shalt  }
0x4e: {  	_ =	shalt  }
0x4f: {  	_ =	shalt  }
0x50: {  	_ =	shalt  }
0x51: {  	_ =	shalt  }
0x52: {  	_ =	shalt  }
0x53: {  	_ =	shalt  }
0x54: {  	_ =	shalt  }
0x55: {  	_ =	shalt  }
0x56: {  	_ =	shalt  }
0x57: {  	_ =	shalt  }
0x58: {  	_ =	shalt  }
0x59: {  	_ =	shalt  }
0x5a: {  	_ =	shalt  }
0x5b: {  	_ =	shalt  }
0x5c: {  	_ =	shalt  }
0x5d: {  	_ =	shalt  }
0x5e: {  	_ =	shalt  }
0x5f: {  	_ =	shalt  }
0x60: {  	_ =	shalt  }
0x61: {  	_ =	shalt  }
0x62: {  	_ =	shalt  }
0x63: {  	_ =	shalt  }
0x64: {  	_ =	shalt  }
0x65: {  	_ =	shalt  }
0x66: {  	_ =	shalt  }
0x67: {  	_ =	shalt  }
0x68: {  	_ =	shalt  }
0x69: {  	_ =	shalt  }
0x6a: {  	_ =	shalt  }
0x6b: {  	_ =	shalt  }
0x6c: {  	_ =	shalt  }
0x6d: {  	_ =	shalt  }
0x6e: {  	_ =	shalt  }
0x6f: {  	_ =	shalt  }
0x70: {  	_ =	shalt  }
0x71: {  	_ =	shalt  }
0x72: {  	_ =	shalt  }
0x73: {  	_ =	shalt  }
0x74: {  	_ =	shalt  }
0x75: {  	_ =	shalt  }
0x76: {  	_ =	shalt  }
0x77: {  	_ =	shalt  }
0x78: {  	_ =	shalt  }
0x79: {  	_ =	shalt  }
0x7a: {  	_ =	shalt  }
0x7b: {  	_ =	shalt  }
0x7c: {  	_ =	shalt  }
0x7d: {  	_ =	shalt  }
0x7e: {  	_ =	shalt  }
0x7f: {  	_ =	shalt  }
0x80: {  	_ =	shalt  }
0x81: {  	_ =	shalt  }
0x82: {  	_ =	shalt  }
0x83: {  	_ =	shalt  }
0x84: {  	_ =	shalt  }
0x85: {  	_ =	shalt  }
0x86: {  	_ =	shalt  }
0x87: {  	_ =	shalt  }
.Lfunc_end0:
.L_simem_size_0:
called_computation_lowered:
.L_overlay_start_0:
0x88: {  	s2 =	sld [smem:$0x3FD9]  }
0x89: {  	s3 =	sld [smem:$0x3FFE];
	_ =	sdelay $0x1  }
0x8a: {  	s1 =	srdreg.scid  }
0x8b: {  	s0 =	sand.u32 $0x1, s1  }
0x8c: {  	s17 =	sshll.u32 s0, $0xA;
	s2 =	sadd.s32 s3, s2  }
0x8d: {  	s2 =	sadd.s32 s2, s17  }
0x8e: {  	[smem:$0x3FB5] =	sst s2  }
0x8f: {  	_ = 	snop  }
0x90: {  	s2 =	sld [smem:$0x3FD0];
	(tm) =	ssettm $0x1  }
0x91: {  	s18 =	sld [smem:$0x3FFB];
	_ =	sdelay $0x3  }
0x92: {  	_ =	strace s18  }
0x93: {  	s3 =	sld [smem:$0x3FFC];
	_ =	sdelay $0x3  }
0x94: {  	_ =	strace s3  }
0x95: {  	s3 =	sld [smem:$0x3FFD];
	_ =	sdelay $0x3  }
0x96: {  	_ =	strace s3  }
0x97: {  	_ =	strace $0x8FFFFFFF  }
0x98: {  	s19 =	sld [smem:$0x3FDB];
	_ =	sdelay $0x1  }
0x99: {  	s4 =	simm.s32 $_scs_section_size  }
0x9a: {  	s5 =	simm.s32 $_size__tile_overlayer_lowered;
	s6 =	simm.s32 $_tile_overlayer_lowered  }
0x9b: {  	s22 =	simm.s32 $0x1BFF;
	s21 =	sshll.u32 s6, $0x1;
	s3 =	sadd.s32 s4, s19  }
0x9c: {  	s7 =	simm.s32 $0x0;
	s20 =	sshll.u32 s5, $0x1;
	s5 =	sadd.s32 s21, s3  }
0x9d: {  	[timem:s7], [sflag:s22] =	dma.local [hbm:s5], s20  }
0x9e: {  	_ =	swait.ge [sflag:s22], s20  }
0x9f: {  	s4 =	ssub.s32 $0x0, s20;
	[sflag:s22] =	ssyncset.done $0x0  }
0xa0: {  	[sflag:s22] =	ssyncadd.s32 s4;
	_ =	sdelay $0x1  }
0xa1: {  	s23 =	simm.s32 $0x1B8B  }
0xa2: {  	_ =	swait.ge [sflag:s23], $0x1  }
0xa3: {  	[sflag:s23] =	ssyncset.done $0x0  }
0xa4: {  	s25 =	simm.s32 $0x1B8E;
	s24 =	sld [smem:$0x3FFE];
	[sflag:s23] =	ssyncadd.s32 $0xFFFFFFFF  }
0xa5: {  	s26 =	simm.s32 $execute0_lowered;
	[smem:$0x3FD2] =	sst s25  }
0xa6: {  	s5 =	sshll.u32 s26, $0x1;
	_ =	strace $0x80000046;
	[dreg:$0x1] =	wrdreg $0xFFFFFFFF  }
0xa7: {  	s28 =	simm.s32 $_size_execute0_lowered;
	s3 =	sadd.s32 s3, s5;
	[dreg:$0x0] =	wrdreg $0x0  }
0xa8: {  	s5 =	sshll.u32 s28, $0x1;
	[dreg:$0x2] =	wrdreg s3  }
0xa9: {  	[dreg:$0x3] =	wrdreg s5  }
0xaa: {  	[dreg:$0x4] =	wrdreg $0xC0  }
0xab: {  	_ =	task [dreg:s7], $0x5FFFF  }
0xac: {  	[dreg:$0x1] =	wrdreg $0xFFFFFFFF  }
0xad: {  	[dreg:$0x0] =	wrdreg $0x60  }
0xae: {  	[dreg:$0x2] =	wrdreg s2  }
0xaf: {  	[dreg:$0x3] =	wrdreg s24  }
0xb0: {  	[dreg:$0x4] =	wrdreg $0x9  }
0xb1: {  	_ =	task.clear_ibuf [dreg:s7], $0x5FFFF;
	_ =	strace $0x90000046  }
0xb2: {  	s29 =	simm.s32 $0x9;
	_ =	strace $0x80000048  }
0xb3: {  	_ =	swait.ge [sflag:s29], $0x1  }
0xb4: {  	[sflag:s29] =	ssyncadd.s32 $0xFFFFFFFF  }
0xb5: {  	_ =	strace $0x90000048  }
0xb6: {  	_ =	sfence  }
0xb7: {  	s30 =	sld [smem:$0x0];
	_ =	sdelay $0x2  }
0xb8: {  	s31 =	sshll.u32 s1, $0xD;
	s1 =	sshrl.u32 s1, $0x2  }
0xb9: {  	s3 =	sand.u32 $0x4000, s31;
	s1 =	sadd.s32 s1, s30  }
0xba: {  	s0 =	sor.u32 s3, s0;
	s1 =	sshll.u32 s1, $0x11  }
0xbb: {  	s0 =	sor.u32 s1, s0  }
0xbc: {  	s0 =	sadd.s32 $0x8F2B, s0  }
0xbd: {  	[sflag:s0] =	ssyncadd.remote.s32 $0x1  }
0xbe: {  	_ =	sfence.sel $0xFFFF  }
0xbf: {  	[dreg:$0x0] =	wrdreg $0xFFFFFFFF;
	(pc) =	sbr.abs _section_cstart, $3  }
0xc0: {  	[dreg:$0x1] =	wrdreg $0xFFFFFFFF  }
0xc1: {  	_ =	task.clear_ibuf [dreg:s7], $0x2FFFF;
	_ =	strace $0x9FFFFFFF  }
0xc2: {  	(tm) =	ssettm $0x7FFFFFFF  }
0xc3: {  	_ =	shalt  }
tec
execute0_lowered:
.L_overlay_start_1:
0x0: {  	(tag) =	ssettag $0x1  }
0x1: {  	s2 =	rddreg [dreg:$0x0];
	s1 =	srdreg.scid  }
0x2: {  	s0 =	stileid.u32;
	s5 =	rddreg [dreg:$0x1];
	s3 =	simm.s32 $0x0  }
0x3: {  	s12 =	simm.s32 $0x320;
	s13 =	simm.s32 $0xCB20;
	s4 =	smul.u32 $0x4E20, s0  }
0x4: {  	s14 =	simm.s32 $0x1;
	s15 =	simm.s32 $0x2;
	s8 =	smul.u32 $0x4E200, s0  }
0x5: {  	s6 =	sand.u32 $0x1, s1;
	s1 =	rddreg [dreg:$0x2];
	s9 =	smul.u32 $0x27100, s0  }
0x6: {  	s16 =	simm.s32 $0x0;
	[smem:$0x7FF] =	sst s3;
	s7 =	smul.u32 $0x2710, s6  }
0x7: {  	_ =	strace $0x80000047;
	s10 =	smul.u32 $0x13880, s6;
	s29 =	ssub.s32 $0x2, s6  }
0x8: {  	s6 =	smul.u32 $0x27100, s6;
	s8 =	sadd.s32 s8, s5;
	s7 =	sadd.s32 s7, s4  }
0x9: {  	s30 =	sshrl.u32 s29, $0x1;
	s4 =	sadd.s32 $0x4C00, s5;
	s7 =	sshrl.u32 s7, $0x3  }
0xa: {  	s11 =	sadd.s32 s7, s5;
	s5 =	sadd.s32 s9, s5;
	s7 =	ssub.s32 s29, s30  }
0xb: {  	s8 =	sadd.s32 s6, s8;
	s31 =	sadd.s32 s10, s5;
	s5 =	smax.u32 s7, $0x1  }
0xc: {  	s7 =	sadd.s32 $0x29D200, s8;
	s8 =	sadd.s32 $0x22400, s11;
	s9 =	sadd.s32 $0x18600, s11  }
0xd: {  	s10 =	simm.s32 $0x3;
	s11 =	simm.s32 $0x190;
	s6 =	sadd.s32 $0x2C200, s31  }
.LBB2_1:
0xe: {  	s17 =	sadd.s32 $0x0, s9  }
0xf: {  	[tilespmem:s3], [sflag:$0x3] =	stream.linear.gather [hbm4b:s17+s3], $0x190, $0x38;
	[tilespmem:$0x12F20] =	vst v63  }
0x10: {  	_ =	swait.ge [sflag:s10], $0x190  }
0x11: {  	[sflag:s10] =	ssyncset.done $0x0  }
0x12: {  	s31 =	sadd.s32 $0x0, s8;
	[sflag:s10] =	ssyncadd.s32 $0xFFFFFE70  }
0x13: {  	[tilespmem:s11], [sflag:$0x3] =	stream.linear.gather [hbm4b:s31+s3], $0x190, $0x38;
	[tilespmem:$0x12F20] =	vst v63  }
0x14: {  	_ =	swait.ge [sflag:s10], $0x190  }
0x15: {  	[sflag:s10] =	ssyncset.done $0x0  }
0x16: {  	[sflag:s10] =	ssyncadd.s32 $0xFFFFFE70  }
0x17: {  	[tilespmem:s12], [sflag:$0x1] =	stream.indirect.gather [hbm4b:s2+s11], $0x80, s3, s11, $0xb8;
	[tilespmem:$0x12F20] =	vst v63  }
0x18: {  	_ = 	snop  }
0x19: {  	[tilespmem:s13], [sflag:$0x2] =	stream.indirect.gather [hbm4b:s4+s11], $0x40, s11, s11, $0xb8;
	[tilespmem:$0x12F20] =	vst v63  }
0x1a: {  	_ =	swait.ge [sflag:s14], $0xC800  }
0x1b: {  	[sflag:s14] =	ssyncset.done $0x0  }
0x1c: {  	[sflag:s14] =	ssyncadd.s32 $0xFFFF3800  }
0x1d: {  	_ =	swait.ge [sflag:s15], $0x6400  }
0x1e: {  	[sflag:s15] =	ssyncset.done $0x0  }
0x1f: {  	[sflag:s15] =	ssyncadd.s32 $0xFFFF9C00  }
0x20: {  	[hbm4b:s7+s3] =	stream.linear.scatter [tilespmem:s12], [sflag:$0x3], $0xC800, $0x38;
	[tilespmem:$0x12F20] =	vst v63  }
0x21: {  	_ =	swait.ge [sflag:s10], $0xC800  }
0x22: {  	[sflag:s10] =	ssyncset.done $0x0  }
0x23: {  	[sflag:s10] =	ssyncadd.s32 $0xFFFF3800  }
0x24: {  	[hbm4b:s6+s3] =	stream.linear.scatter [tilespmem:s13], [sflag:$0x3], $0x6400, $0x38;
	[tilespmem:$0x12F20] =	vst v63  }
0x25: {  	s19 =	simm.s32 $0x32;
	s20 =	simm.s32 $0x64;
	_ =	swait.ge [sflag:s10], $0x6400  }
0x26: {  	s18 =	sadd.s32 $0x1900, s7;
	s17 =	sadd.s32 $0xC80, s6;
	[sflag:s10] =	ssyncset.done $0x0  }
.LBB2_2:
0x27: {  	s21 =	sadd.s32 s19, s9  }
0x28: {  	[sflag:s10] =	ssyncadd.s32 $0xFFFF9C00;
	s22 =	smov.u32 s20;
	s23 =	sadd.s32 $0x32, s20  }
0x29: {  	[tilespmem:s3], [sflag:$0x3] =	stream.linear.gather [hbm4b:s21+s3], $0x190, $0x38;
	[tilespmem:$0x12F20] =	vst v63  }
0x2a: {  	p0 =	sne.s32 s20, $0x4B0;
	_ =	swait.ge [sflag:s10], $0x190  }
0x2b: {  	[sflag:s10] =	ssyncset.done $0x0  }
0x2c: {  	s20 =	sadd.s32 s19, s8;
	s19 =	smov.u32 s22;
	[sflag:s10] =	ssyncadd.s32 $0xFFFFFE70  }
0x2d: {  	[tilespmem:s11], [sflag:$0x3] =	stream.linear.gather [hbm4b:s20+s3], $0x190, $0x38;
	[tilespmem:$0x12F20] =	vst v63  }
0x2e: {  	_ =	swait.ge [sflag:s10], $0x190  }
0x2f: {  	[sflag:s10] =	ssyncset.done $0x0  }
0x30: {  	[sflag:s10] =	ssyncadd.s32 $0xFFFFFE70  }
0x31: {  	[tilespmem:s12], [sflag:$0x1] =	stream.indirect.gather [hbm4b:s2+s11], $0x80, s3, s11, $0xb8;
	[tilespmem:$0x12F20] =	vst v63  }
0x32: {  	_ = 	snop  }
0x33: {  	[tilespmem:s13], [sflag:$0x2] =	stream.indirect.gather [hbm4b:s4+s11], $0x40, s11, s11, $0xb8;
	[tilespmem:$0x12F20] =	vst v63  }
0x34: {  	_ =	swait.ge [sflag:s14], $0xC800  }
0x35: {  	[sflag:s14] =	ssyncset.done $0x0  }
0x36: {  	[sflag:s14] =	ssyncadd.s32 $0xFFFF3800  }
0x37: {  	_ =	swait.ge [sflag:s15], $0x6400  }
0x38: {  	[sflag:s15] =	ssyncset.done $0x0  }
0x39: {  	[sflag:s15] =	ssyncadd.s32 $0xFFFF9C00  }
0x3a: {  	[hbm4b:s18+s3] =	stream.linear.scatter [tilespmem:s12], [sflag:$0x3], $0xC800, $0x38;
	[tilespmem:$0x12F20] =	vst v63  }
0x3b: {  	_ =	swait.ge [sflag:s10], $0xC800  }
.Ltmp0:
0x3c: {  	[sflag:s10] =	ssyncset.done $0x0;
	(pc) =	sbr.rel @p0 .LBB2_2-.Ltmp0, $4  }
0x3d: {  	[sflag:s10] =	ssyncadd.s32 $0xFFFF3800  }
0x3e: {  	[hbm4b:s17+s3] =	stream.linear.scatter [tilespmem:s13], [sflag:$0x3], $0x6400, $0x38;
	[tilespmem:$0x12F20] =	vst v63  }
0x3f: {  	s20 =	smov.u32 s23;
	_ =	swait.ge [sflag:s10], $0x6400  }
0x40: {  	s18 =	sadd.s32 $0x1900, s18;
	s17 =	sadd.s32 $0xC80, s17;
	[sflag:s10] =	ssyncset.done $0x0  }
0x41: {  	s20 =	sadd.s32 s19, s9;
	[sflag:s10] =	ssyncadd.s32 $0xFFFF9C00  }
0x42: {  	[tilespmem:s3], [sflag:$0x3] =	stream.linear.gather [hbm4b:s20+s3], $0x190, $0x38;
	[tilespmem:$0x12F20] =	vst v63  }
0x43: {  	_ =	swait.ge [sflag:s10], $0x190  }
0x44: {  	[sflag:s10] =	ssyncset.done $0x0  }
0x45: {  	s31 =	sadd.s32 s19, s8;
	[sflag:s10] =	ssyncadd.s32 $0xFFFFFE70  }
0x46: {  	[tilespmem:s11], [sflag:$0x3] =	stream.linear.gather [hbm4b:s31+s3], $0x190, $0x38;
	[tilespmem:$0x12F20] =	vst v63  }
0x47: {  	_ =	swait.ge [sflag:s10], $0x190  }
0x48: {  	[sflag:s10] =	ssyncset.done $0x0  }
0x49: {  	[sflag:s10] =	ssyncadd.s32 $0xFFFFFE70  }
0x4a: {  	[tilespmem:s12], [sflag:$0x1] =	stream.indirect.gather [hbm4b:s2+s11], $0x80, s3, s11, $0xb8;
	[tilespmem:$0x12F20] =	vst v63  }
0x4b: {  	_ = 	snop  }
0x4c: {  	[tilespmem:s13], [sflag:$0x2] =	stream.indirect.gather [hbm4b:s4+s11], $0x40, s11, s11, $0xb8;
	[tilespmem:$0x12F20] =	vst v63  }
0x4d: {  	_ =	swait.ge [sflag:s14], $0xC800  }
0x4e: {  	[sflag:s14] =	ssyncset.done $0x0  }
0x4f: {  	[sflag:s14] =	ssyncadd.s32 $0xFFFF3800  }
0x50: {  	_ =	swait.ge [sflag:s15], $0x6400  }
0x51: {  	[sflag:s15] =	ssyncset.done $0x0  }
0x52: {  	[sflag:s15] =	ssyncadd.s32 $0xFFFF9C00  }
0x53: {  	[hbm4b:s18+s3] =	stream.linear.scatter [tilespmem:s12], [sflag:$0x3], $0xC800, $0x38;
	[tilespmem:$0x12F20] =	vst v63  }
0x54: {  	s16 =	sadd.s32 $0x1, s16;
	_ =	swait.ge [sflag:s10], $0xC800  }
0x55: {  	p0 =	sne.s32 s16, s5;
	[sflag:s10] =	ssyncset.done $0x0  }
.Ltmp1:
0x56: {  	[sflag:s10] =	ssyncadd.s32 $0xFFFF3800;
	(pc) =	sbr.rel @p0 .LBB2_1-.Ltmp1, $4  }
0x57: {  	[hbm4b:s17+s3] =	stream.linear.scatter [tilespmem:s13], [sflag:$0x3], $0x6400, $0x38;
	[tilespmem:$0x12F20] =	vst v63  }
0x58: {  	_ =	swait.ge [sflag:s10], $0x6400  }
0x59: {  	[sflag:s10] =	ssyncset.done $0x0  }
0x5a: {  	[sflag:s10] =	ssyncadd.s32 $0xFFFF9C00  }
0x5b: {  	_ =	sfence.sel $0x180000  }
0x5c: {  	[bflag:$0x0] =	sbarrier.arrive $0xFFFF  }
0x5d: {  	p0 =	sne.s32 s0, $0x0;
	_ =	strace $0x90000047  }
0x5e: {  	s0 =	sadd.s32 @!p0 $0x100000, s1;
	[bflag:$0x2] =	sbarrier.arrive $0xFFFF  }
0x5f: {  	[sflag:s0] =	ssyncadd.tile.s32 @!p0 $0x1;
	_ =	shalt  }
.Lfunc_end2:
_tile_overlayer_lowered:
.L_overlay_start_2:
0x60: {  	(tag) =	ssettag $0x2  }
0x61: {  	s0 =	rddreg [dreg:$0x0];
	s2 =	stileid.u32  }
0x62: {  	s1 =	rddreg [dreg:$0x1];
	p0 =	sne.s32 s2, $0x0  }
0x63: {  	s3 =	rddreg [dreg:$0x2];
	[bflag:$0x3] =	sbarrier.arrive $0xFFFF;
	s2 =	simm.s32 @!p0 $0x1C03  }
0x64: {  	[timem:s3], [sflag:s2] =	dma.local @!p0 [hbm:s0], s1  }
0x65: {  	s0 =	simm.s32 @!p0 $0x3  }
0x66: {  	_ =	swait.ge @!p0 [sflag:s0], s1  }
0x67: {  	s1 =	ssub.s32 @!p0 $0x0, s1;
	[sflag:s0] =	ssyncset.done @!p0 $0x0  }
0x68: {  	[sflag:s0] =	ssyncadd.s32 @!p0 s1  }
0x69: {  	[bflag:$0x3] =	sbarrier.arrive $0xFFFF  }
0x6a: {  	_ =	shalt  }

</sc_bundles>
